<compile_context>
chip_gen: v7x
topology: tpu7x:2x2x1
jax: 0.10.2.dev20260603
libtpu: 0.0.44.dev20260713+nightly
codegen_flags: <defaults>
</compile_context>

<pallas_src>
import functools

import jax
import jax.numpy as jnp
from jax import lax
from jax.experimental import pallas as pl
from jax.experimental.pallas import tpu as pltpu
from jax.experimental.pallas import tpu_sc as plsc

NUM_CORES = 2
NUM_SUBCORES = 16
NUM_WORKERS = NUM_CORES * NUM_SUBCORES
LANES = 16

BATCH = 16384
EMBED_DIM = 64
PAD_DIM = 128
CHUNKS = EMBED_DIM // LANES
BPW = BATCH // NUM_WORKERS
PASS_N = 256
PGROUPS = PASS_N // LANES


def _mf_body(iu_hbm, ii_hbm, ue_hbm, ie_hbm, ub_hbm, ib_hbm, out_hbm,
             idx_u_v, idx_i_v, u_rows, i_rows, bu_v, bi_v, out_v, sem):
    c = lax.axis_index("c")
    s = lax.axis_index("s")
    wid = s * NUM_CORES + c
    base = wid * BPW

    pltpu.sync_copy(iu_hbm.at[pl.ds(base, BPW)], idx_u_v)
    pltpu.sync_copy(ii_hbm.at[pl.ds(base, BPW)], idx_i_v)
    cp_bu = pltpu.async_copy(ub_hbm.at[idx_u_v], bu_v, sem)
    cp_bi = pltpu.async_copy(ib_hbm.at[idx_i_v], bi_v, sem)

    iota = lax.iota(jnp.int32, LANES)
    rot_idx = [(iota + d) % LANES for d in (8, 4, 2, 1)]

    def do_pass(p, carry):
        off = p * PASS_N
        cp_u = pltpu.async_copy(ue_hbm.at[idx_u_v.at[pl.ds(off, PASS_N)]],
                                u_rows, sem)
        cp_i = pltpu.async_copy(ie_hbm.at[idx_i_v.at[pl.ds(off, PASS_N)]],
                                i_rows, sem)
        cp_u.wait()
        cp_i.wait()

        def group(g, carry2):
            res = jnp.zeros((LANES,), jnp.float32)
            for j in range(LANES):
                r = g * LANES + j
                acc = u_rows[r, pl.ds(0, LANES)] * i_rows[r, pl.ds(0, LANES)]
                for k in range(1, CHUNKS):
                    acc = acc + (u_rows[r, pl.ds(k * LANES, LANES)]
                                 * i_rows[r, pl.ds(k * LANES, LANES)])
                for ridx in rot_idx:
                    acc = acc + acc[ridx]
                res = jnp.where(iota == j, acc, res)
            sl = pl.ds(off + g * LANES, LANES)
            out_v[sl] = res + bu_v[sl] + bi_v[sl]
            return carry2
        lax.fori_loop(0, PGROUPS, group, 0)
        return carry

    cp_bu.wait()
    cp_bi.wait()
    lax.fori_loop(0, BPW // PASS_N, do_pass, 0)

    pltpu.sync_copy(out_v, out_hbm.at[pl.ds(base, BPW)])


@jax.jit
def _mf_call(idx_user, idx_item, user_emb_p, item_emb_p, user_bias, item_bias):
    mesh = plsc.VectorSubcoreMesh(
        core_axis_name="c", subcore_axis_name="s",
        num_cores=NUM_CORES, num_subcores=NUM_SUBCORES)
    fn = pl.kernel(
        _mf_body,
        out_type=jax.ShapeDtypeStruct((BATCH,), jnp.float32),
        mesh=mesh,
        scratch_types=[
            pltpu.VMEM((BPW,), jnp.int32),
            pltpu.VMEM((BPW,), jnp.int32),
            pltpu.VMEM((PASS_N, PAD_DIM), jnp.float32),
            pltpu.VMEM((PASS_N, PAD_DIM), jnp.float32),
            pltpu.VMEM((BPW,), jnp.float32),
            pltpu.VMEM((BPW,), jnp.float32),
            pltpu.VMEM((BPW,), jnp.float32),
            pltpu.SemaphoreType.DMA,
        ],
    )
    return fn(idx_user, idx_item, user_emb_p, item_emb_p,
              user_bias, item_bias)


def kernel(x, user_emb, item_emb, user_bias, item_bias):
    xi = x.astype(jnp.int32)
    zpad = jnp.zeros((user_emb.shape[0], PAD_DIM - EMBED_DIM), jnp.float32)
    ue_p = jnp.concatenate([user_emb, zpad], axis=1)
    ie_p = jnp.concatenate([item_emb, zpad], axis=1)
    return _mf_call(xi[:, 0], xi[:, 1], ue_p, ie_p,
                    user_bias.reshape(-1), item_bias.reshape(-1))

# --- scband reference (transcript-rebuilt; emitter-appended) ---
"""Pipeline reference for scband-mfrecommender-75179107549846 (READ-ONLY COPY).

The authoritative reference and input builder live on the scoring server;
editing this copy changes nothing except your own understanding.
"""

import jax, jax.numpy as jnp
import numpy as np

NUM_USERS = 100000
NUM_ITEMS = 100000
EMBED_DIM = 64
BATCH = 16384

def setup_inputs(seed: int = 0) -> dict:
    key = jax.random.key(seed)
    k_x, k_ue, k_ie, k_ub, k_ib = jax.random.split(key, 5)
    x = jax.random.randint(k_x, (BATCH, 2), 0, NUM_USERS, dtype=jnp.int64) if jax.config.jax_enable_x64 else jax.random.randint(k_x, (BATCH, 2), 0, NUM_USERS, dtype=jnp.int32)
    # he_normal initializer: stddev = sqrt(2 / fan_in); fan_in = embedding_dim for Embedding
    std = np.sqrt(2.0 / EMBED_DIM)
    user_emb = jax.random.normal(k_ue, (NUM_USERS, EMBED_DIM), dtype=jnp.float32) * std
    item_emb = jax.random.normal(k_ie, (NUM_ITEMS, EMBED_DIM), dtype=jnp.float32) * std
    # bias embeddings default uniform init in keras; small uniform
    user_bias = jax.random.uniform(k_ub, (NUM_USERS, 1), dtype=jnp.float32, minval=-0.05, maxval=0.05)
    item_bias = jax.random.uniform(k_ib, (NUM_ITEMS, 1), dtype=jnp.float32, minval=-0.05, maxval=0.05)
    return {"x": x, "user_emb": user_emb, "item_emb": item_emb, "user_bias": user_bias, "item_bias": item_bias}

def reference(x, user_emb, item_emb, user_bias, item_bias):
    u = jnp.take(user_emb, x[:, 0], axis=0)            # [B, D]
    i = jnp.take(item_emb, x[:, 1], axis=0)            # [B, D]
    dot = jnp.sum(u * i, axis=1, keepdims=True)        # [B, 1]
    b_u = jnp.take(user_bias, x[:, 0], axis=0)         # [B, 1]
    b_i = jnp.take(item_bias, x[:, 1], axis=0)         # [B, 1]
    return jnp.squeeze(dot + b_u + b_i, axis=1)        # [B]

if __name__ == "__main__":
    import jax
    _d = setup_inputs()
    print(jax.jit(kernel)(*tuple(_d.values())))

</pallas_src>

<mosaic_0001>
#map = affine_map<(d0, d1) -> (0)>
#map1 = affine_map<(d0, d1) -> (0, 0)>
module attributes {stable_mosaic.version = 14 : i64} {
  func.func @_mf_body(%arg0: i32, %arg1: i32, %arg2: memref<16384xi32, #tpu.memory_space<hbm>>, %arg3: memref<16384xi32, #tpu.memory_space<hbm>>, %arg4: memref<100000x128xf32, #tpu.memory_space<hbm>>, %arg5: memref<100000x128xf32, #tpu.memory_space<hbm>>, %arg6: memref<100000xf32, #tpu.memory_space<hbm>>, %arg7: memref<100000xf32, #tpu.memory_space<hbm>>, %arg8: memref<16384xf32, #tpu.memory_space<hbm>>, %arg9: memref<512xi32, #tpu.memory_space<vmem>>, %arg10: memref<512xi32, #tpu.memory_space<vmem>>, %arg11: memref<256x128xf32, #tpu.memory_space<vmem>>, %arg12: memref<256x128xf32, #tpu.memory_space<vmem>>, %arg13: memref<512xf32, #tpu.memory_space<vmem>>, %arg14: memref<512xf32, #tpu.memory_space<vmem>>, %arg15: memref<512xf32, #tpu.memory_space<vmem>>, %arg16: memref<!tpu.dma_semaphore, #tpu.memory_space<semaphore_mem>>) attributes {dimension_semantics = [#tpu.dimension_semantics<core_parallel>, #tpu.dimension_semantics<subcore_parallel>], iteration_bounds = array<i64: 2, 16>, scalar_prefetch = 0 : i64, scratch_operands = 8 : i64, tpu.core_type = #tpu.core_type<sc_vector_subcore>, window_params = [{transform_indices = #map}, {transform_indices = #map}, {transform_indices = #map1}, {transform_indices = #map1}, {transform_indices = #map}, {transform_indices = #map}, {transform_indices = #map}]} {
    %mul3A = arith.constant 2 : i32
    %mul3A_0 = arith.muli %arg1, %mul3A : i32
    %add3A = arith.addi %mul3A_0, %arg0 : i32
    %mul3A_1 = arith.constant 512 : i32
    %mul3A_2 = arith.muli %add3A, %mul3A_1 : i32
    "tpu.region"() ({
      %run_scoped3A = tpu.sem_alloc : memref<!tpu.dma_semaphore, #tpu.memory_space<semaphore_mem>>
      %dma_start3A_107 = tpu.memref_slice %arg2[%mul3A_2] : memref<16384xi32, #tpu.memory_space<hbm>> -> memref<512xi32, #tpu.memory_space<hbm>>
      %dma_start3A_108 = tpu.memref_slice %arg2[%mul3A_2] : memref<16384xi32, #tpu.memory_space<hbm>> -> memref<512xi32, #tpu.memory_space<hbm>>
      tpu.enqueue_dma source(%dma_start3A_108 : memref<512xi32, #tpu.memory_space<hbm>>) target(%arg9 : memref<512xi32, #tpu.memory_space<vmem>>) target_semaphore(%run_scoped3A : memref<!tpu.dma_semaphore, #tpu.memory_space<semaphore_mem>>)
      %dma_wait3A_109 = tpu.memref_slice %arg2[%mul3A_2] : memref<16384xi32, #tpu.memory_space<hbm>> -> memref<512xi32, #tpu.memory_space<hbm>>
      %dma_wait3A_110 = tpu.memref_slice %arg2[%mul3A_2] : memref<16384xi32, #tpu.memory_space<hbm>> -> memref<512xi32, #tpu.memory_space<hbm>>
      tpu.wait_dma2 semaphore(%run_scoped3A : memref<!tpu.dma_semaphore, #tpu.memory_space<semaphore_mem>>) src(%dma_wait3A_110 : memref<512xi32, #tpu.memory_space<hbm>>) dst(%arg9 : memref<512xi32, #tpu.memory_space<vmem>>)
      tpu.yield
    }) : () -> ()
    "tpu.region"() ({
      %run_scoped3A = tpu.sem_alloc : memref<!tpu.dma_semaphore, #tpu.memory_space<semaphore_mem>>
      %dma_start3A_107 = tpu.memref_slice %arg3[%mul3A_2] : memref<16384xi32, #tpu.memory_space<hbm>> -> memref<512xi32, #tpu.memory_space<hbm>>
      %dma_start3A_108 = tpu.memref_slice %arg3[%mul3A_2] : memref<16384xi32, #tpu.memory_space<hbm>> -> memref<512xi32, #tpu.memory_space<hbm>>
      tpu.enqueue_dma source(%dma_start3A_108 : memref<512xi32, #tpu.memory_space<hbm>>) target(%arg10 : memref<512xi32, #tpu.memory_space<vmem>>) target_semaphore(%run_scoped3A : memref<!tpu.dma_semaphore, #tpu.memory_space<semaphore_mem>>)
      %dma_wait3A_109 = tpu.memref_slice %arg3[%mul3A_2] : memref<16384xi32, #tpu.memory_space<hbm>> -> memref<512xi32, #tpu.memory_space<hbm>>
      %dma_wait3A_110 = tpu.memref_slice %arg3[%mul3A_2] : memref<16384xi32, #tpu.memory_space<hbm>> -> memref<512xi32, #tpu.memory_space<hbm>>
      tpu.wait_dma2 semaphore(%run_scoped3A : memref<!tpu.dma_semaphore, #tpu.memory_space<semaphore_mem>>) src(%dma_wait3A_110 : memref<512xi32, #tpu.memory_space<hbm>>) dst(%arg10 : memref<512xi32, #tpu.memory_space<vmem>>)
      tpu.yield
    }) : () -> ()
    %dma_start3A = arith.constant 0 : i32
    %dma_start3A_3 = tpu.memref_slice %arg6[%dma_start3A] : memref<100000xf32, #tpu.memory_space<hbm>> -> memref<100000xf32, #tpu.memory_space<hbm>>
    tpu.enqueue_indirect_dma source(%dma_start3A_3 : memref<100000xf32, #tpu.memory_space<hbm>>) target(%arg13 : memref<512xf32, #tpu.memory_space<vmem>>) offsets(%arg9 : memref<512xi32, #tpu.memory_space<vmem>>) semaphore(%arg16 : memref<!tpu.dma_semaphore, #tpu.memory_space<semaphore_mem>>)
    %dma_start3A_4 = arith.constant 0 : i32
    %dma_start3A_5 = tpu.memref_slice %arg7[%dma_start3A_4] : memref<100000xf32, #tpu.memory_space<hbm>> -> memref<100000xf32, #tpu.memory_space<hbm>>
    tpu.enqueue_indirect_dma source(%dma_start3A_5 : memref<100000xf32, #tpu.memory_space<hbm>>) target(%arg14 : memref<512xf32, #tpu.memory_space<vmem>>) offsets(%arg10 : memref<512xi32, #tpu.memory_space<vmem>>) semaphore(%arg16 : memref<!tpu.dma_semaphore, #tpu.memory_space<semaphore_mem>>)
    %iota3A = tpu.iota {dimensions = array<i32: 0>} : vector<16xi32>
    %add3A_6 = arith.constant 8 : i32
    %add3A_7 = vector.broadcast %add3A_6 : i32 to vector<16xi32>
    %add3A_8 = arith.addi %iota3A, %add3A_7 : vector<16xi32>
    %jit3A = arith.constant 16 : i32
    %eq3A = arith.constant 0 : i32
    %eq3A_9 = arith.cmpi eq, %jit3A, %eq3A : i32
    %jit3A_10 = arith.constant 1 : i32
    %select_n3A = arith.select %eq3A_9, %jit3A_10, %jit3A : i32
    %rem3A = vector.broadcast %select_n3A : i32 to vector<16xi32>
    %rem3A_11 = arith.remsi %add3A_8, %rem3A : vector<16xi32>
    %ne3A = arith.constant 0 : i32
    %ne3A_12 = vector.broadcast %ne3A : i32 to vector<16xi32>
    %ne3A_13 = arith.cmpi ne, %rem3A_11, %ne3A_12 : vector<16xi32>
    %lt3A = arith.constant 0 : i32
    %lt3A_14 = vector.broadcast %lt3A : i32 to vector<16xi32>
    %lt3A_15 = arith.cmpi slt, %rem3A_11, %lt3A_14 : vector<16xi32>
    %lt3A_16 = arith.constant 0 : i32
    %lt3A_17 = arith.cmpi slt, %select_n3A, %lt3A_16 : i32
    %ne3A_18 = vector.broadcast %lt3A_17 : i1 to vector<16xi1>
    %ne3A_19 = vector.broadcast %ne3A_18 : vector<16xi1> to vector<16xi1>
    %ne3A_20 = arith.xori %lt3A_15, %ne3A_19 : vector<16xi1>
    %and3A = arith.andi %ne3A_20, %ne3A_13 : vector<16xi1>
    %add3A_21 = vector.broadcast %select_n3A : i32 to vector<16xi32>
    %add3A_22 = arith.addi %rem3A_11, %add3A_21 : vector<16xi32>
    %select_n3A_23 = arith.select %and3A, %add3A_22, %rem3A_11 : vector<16xi1>, vector<16xi32>
    %add3A_24 = arith.constant 4 : i32
    %add3A_25 = vector.broadcast %add3A_24 : i32 to vector<16xi32>
    %add3A_26 = arith.addi %iota3A, %add3A_25 : vector<16xi32>
    %jit3A_27 = arith.constant 16 : i32
    %eq3A_28 = arith.constant 0 : i32
    %eq3A_29 = arith.cmpi eq, %jit3A_27, %eq3A_28 : i32
    %jit3A_30 = arith.constant 1 : i32
    %select_n3A_31 = arith.select %eq3A_29, %jit3A_30, %jit3A_27 : i32
    %rem3A_32 = vector.broadcast %select_n3A_31 : i32 to vector<16xi32>
    %rem3A_33 = arith.remsi %add3A_26, %rem3A_32 : vector<16xi32>
    %ne3A_34 = arith.constant 0 : i32
    %ne3A_35 = vector.broadcast %ne3A_34 : i32 to vector<16xi32>
    %ne3A_36 = arith.cmpi ne, %rem3A_33, %ne3A_35 : vector<16xi32>
    %lt3A_37 = arith.constant 0 : i32
    %lt3A_38 = vector.broadcast %lt3A_37 : i32 to vector<16xi32>
    %lt3A_39 = arith.cmpi slt, %rem3A_33, %lt3A_38 : vector<16xi32>
    %lt3A_40 = arith.constant 0 : i32
    %lt3A_41 = arith.cmpi slt, %select_n3A_31, %lt3A_40 : i32
    %ne3A_42 = vector.broadcast %lt3A_41 : i1 to vector<16xi1>
    %ne3A_43 = vector.broadcast %ne3A_42 : vector<16xi1> to vector<16xi1>
    %ne3A_44 = arith.xori %lt3A_39, %ne3A_43 : vector<16xi1>
    %and3A_45 = arith.andi %ne3A_44, %ne3A_36 : vector<16xi1>
    %add3A_46 = vector.broadcast %select_n3A_31 : i32 to vector<16xi32>
    %add3A_47 = arith.addi %rem3A_33, %add3A_46 : vector<16xi32>
    %select_n3A_48 = arith.select %and3A_45, %add3A_47, %rem3A_33 : vector<16xi1>, vector<16xi32>
    %add3A_49 = arith.constant 2 : i32
    %add3A_50 = vector.broadcast %add3A_49 : i32 to vector<16xi32>
    %add3A_51 = arith.addi %iota3A, %add3A_50 : vector<16xi32>
    %jit3A_52 = arith.constant 16 : i32
    %eq3A_53 = arith.constant 0 : i32
    %eq3A_54 = arith.cmpi eq, %jit3A_52, %eq3A_53 : i32
    %jit3A_55 = arith.constant 1 : i32
    %select_n3A_56 = arith.select %eq3A_54, %jit3A_55, %jit3A_52 : i32
    %rem3A_57 = vector.broadcast %select_n3A_56 : i32 to vector<16xi32>
    %rem3A_58 = arith.remsi %add3A_51, %rem3A_57 : vector<16xi32>
    %ne3A_59 = arith.constant 0 : i32
    %ne3A_60 = vector.broadcast %ne3A_59 : i32 to vector<16xi32>
    %ne3A_61 = arith.cmpi ne, %rem3A_58, %ne3A_60 : vector<16xi32>
    %lt3A_62 = arith.constant 0 : i32
    %lt3A_63 = vector.broadcast %lt3A_62 : i32 to vector<16xi32>
    %lt3A_64 = arith.cmpi slt, %rem3A_58, %lt3A_63 : vector<16xi32>
    %lt3A_65 = arith.constant 0 : i32
    %lt3A_66 = arith.cmpi slt, %select_n3A_56, %lt3A_65 : i32
    %ne3A_67 = vector.broadcast %lt3A_66 : i1 to vector<16xi1>
    %ne3A_68 = vector.broadcast %ne3A_67 : vector<16xi1> to vector<16xi1>
    %ne3A_69 = arith.xori %lt3A_64, %ne3A_68 : vector<16xi1>
    %and3A_70 = arith.andi %ne3A_69, %ne3A_61 : vector<16xi1>
    %add3A_71 = vector.broadcast %select_n3A_56 : i32 to vector<16xi32>
    %add3A_72 = arith.addi %rem3A_58, %add3A_71 : vector<16xi32>
    %select_n3A_73 = arith.select %and3A_70, %add3A_72, %rem3A_58 : vector<16xi1>, vector<16xi32>
    %add3A_74 = arith.constant 1 : i32
    %add3A_75 = vector.broadcast %add3A_74 : i32 to vector<16xi32>
    %add3A_76 = arith.addi %iota3A, %add3A_75 : vector<16xi32>
    %jit3A_77 = arith.constant 16 : i32
    %eq3A_78 = arith.constant 0 : i32
    %eq3A_79 = arith.cmpi eq, %jit3A_77, %eq3A_78 : i32
    %jit3A_80 = arith.constant 1 : i32
    %select_n3A_81 = arith.select %eq3A_79, %jit3A_80, %jit3A_77 : i32
    %rem3A_82 = vector.broadcast %select_n3A_81 : i32 to vector<16xi32>
    %rem3A_83 = arith.remsi %add3A_76, %rem3A_82 : vector<16xi32>
    %ne3A_84 = arith.constant 0 : i32
    %ne3A_85 = vector.broadcast %ne3A_84 : i32 to vector<16xi32>
    %ne3A_86 = arith.cmpi ne, %rem3A_83, %ne3A_85 : vector<16xi32>
    %lt3A_87 = arith.constant 0 : i32
    %lt3A_88 = vector.broadcast %lt3A_87 : i32 to vector<16xi32>
    %lt3A_89 = arith.cmpi slt, %rem3A_83, %lt3A_88 : vector<16xi32>
    %lt3A_90 = arith.constant 0 : i32
    %lt3A_91 = arith.cmpi slt, %select_n3A_81, %lt3A_90 : i32
    %ne3A_92 = vector.broadcast %lt3A_91 : i1 to vector<16xi1>
    %ne3A_93 = vector.broadcast %ne3A_92 : vector<16xi1> to vector<16xi1>
    %ne3A_94 = arith.xori %lt3A_89, %ne3A_93 : vector<16xi1>
    %and3A_95 = arith.andi %ne3A_94, %ne3A_86 : vector<16xi1>
    %add3A_96 = vector.broadcast %select_n3A_81 : i32 to vector<16xi32>
    %add3A_97 = arith.addi %rem3A_83, %add3A_96 : vector<16xi32>
    %select_n3A_98 = arith.select %and3A_95, %add3A_97, %rem3A_83 : vector<16xi1>, vector<16xi32>
    %dma_wait3A = arith.constant 0 : i32
    %dma_wait3A_99 = tpu.memref_slice %arg6[%dma_wait3A] : memref<100000xf32, #tpu.memory_space<hbm>> -> memref<100000xf32, #tpu.memory_space<hbm>>
    tpu.wait_indirect_dma semaphore(%arg16 : memref<!tpu.dma_semaphore, #tpu.memory_space<semaphore_mem>>) src(%dma_wait3A_99 : memref<100000xf32, #tpu.memory_space<hbm>>) dst(%arg13 : memref<512xf32, #tpu.memory_space<vmem>>)
    %dma_wait3A_100 = arith.constant 0 : i32
    %dma_wait3A_101 = tpu.memref_slice %arg7[%dma_wait3A_100] : memref<100000xf32, #tpu.memory_space<hbm>> -> memref<100000xf32, #tpu.memory_space<hbm>>
    tpu.wait_indirect_dma semaphore(%arg16 : memref<!tpu.dma_semaphore, #tpu.memory_space<semaphore_mem>>) src(%dma_wait3A_101 : memref<100000xf32, #tpu.memory_space<hbm>>) dst(%arg14 : memref<512xf32, #tpu.memory_space<vmem>>)
    %scan3A = arith.constant 0 : i32
    %scan3A_102 = arith.constant 0 : i32
    %scan3A_103 = arith.constant 2 : i32
    %scan3A_104 = arith.addi %scan3A_102, %scan3A_103 : i32
    %scan3A_105 = arith.constant 1 : i32
    scf.for %scan3A_107 = %scan3A_102 to %scan3A_104 step %scan3A_105  : i32 {
      %mul3A_108 = arith.constant 256 : i32
      %mul3A_109 = arith.muli %scan3A_107, %mul3A_108 : i32
      %dma_start3A_110 = tpu.memref_slice %arg9[%mul3A_109] : memref<512xi32, #tpu.memory_space<vmem>> -> memref<256xi32, #tpu.memory_space<vmem>>
      %dma_start3A_111 = arith.constant 0 : i32
      %dma_start3A_112 = arith.constant 0 : i32
      %dma_start3A_113 = tpu.memref_slice %arg4[%dma_start3A_111, %dma_start3A_112] : memref<100000x128xf32, #tpu.memory_space<hbm>> -> memref<100000x128xf32, #tpu.memory_space<hbm>>
      tpu.enqueue_indirect_dma source(%dma_start3A_113 : memref<100000x128xf32, #tpu.memory_space<hbm>>) target(%arg11 : memref<256x128xf32, #tpu.memory_space<vmem>>) offsets(%dma_start3A_110 : memref<256xi32, #tpu.memory_space<vmem>>) semaphore(%arg16 : memref<!tpu.dma_semaphore, #tpu.memory_space<semaphore_mem>>)
      %dma_start3A_114 = tpu.memref_slice %arg10[%mul3A_109] : memref<512xi32, #tpu.memory_space<vmem>> -> memref<256xi32, #tpu.memory_space<vmem>>
      %dma_start3A_115 = arith.constant 0 : i32
      %dma_start3A_116 = arith.constant 0 : i32
      %dma_start3A_117 = tpu.memref_slice %arg5[%dma_start3A_115, %dma_start3A_116] : memref<100000x128xf32, #tpu.memory_space<hbm>> -> memref<100000x128xf32, #tpu.memory_space<hbm>>
      tpu.enqueue_indirect_dma source(%dma_start3A_117 : memref<100000x128xf32, #tpu.memory_space<hbm>>) target(%arg12 : memref<256x128xf32, #tpu.memory_space<vmem>>) offsets(%dma_start3A_114 : memref<256xi32, #tpu.memory_space<vmem>>) semaphore(%arg16 : memref<!tpu.dma_semaphore, #tpu.memory_space<semaphore_mem>>)
      %dma_wait3A_118 = tpu.memref_slice %arg9[%mul3A_109] : memref<512xi32, #tpu.memory_space<vmem>> -> memref<256xi32, #tpu.memory_space<vmem>>
      %dma_wait3A_119 = arith.constant 0 : i32
      %dma_wait3A_120 = arith.constant 0 : i32
      %dma_wait3A_121 = tpu.memref_slice %arg4[%dma_wait3A_119, %dma_wait3A_120] : memref<100000x128xf32, #tpu.memory_space<hbm>> -> memref<100000x128xf32, #tpu.memory_space<hbm>>
      tpu.wait_indirect_dma semaphore(%arg16 : memref<!tpu.dma_semaphore, #tpu.memory_space<semaphore_mem>>) src(%dma_wait3A_121 : memref<100000x128xf32, #tpu.memory_space<hbm>>) dst(%arg11 : memref<256x128xf32, #tpu.memory_space<vmem>>)
      %dma_wait3A_122 = tpu.memref_slice %arg10[%mul3A_109] : memref<512xi32, #tpu.memory_space<vmem>> -> memref<256xi32, #tpu.memory_space<vmem>>
      %dma_wait3A_123 = arith.constant 0 : i32
      %dma_wait3A_124 = arith.constant 0 : i32
      %dma_wait3A_125 = tpu.memref_slice %arg5[%dma_wait3A_123, %dma_wait3A_124] : memref<100000x128xf32, #tpu.memory_space<hbm>> -> memref<100000x128xf32, #tpu.memory_space<hbm>>
      tpu.wait_indirect_dma semaphore(%arg16 : memref<!tpu.dma_semaphore, #tpu.memory_space<semaphore_mem>>) src(%dma_wait3A_125 : memref<100000x128xf32, #tpu.memory_space<hbm>>) dst(%arg12 : memref<256x128xf32, #tpu.memory_space<vmem>>)
      %scan3A_126 = arith.constant 0 : i32
      %scan3A_127 = arith.constant 0 : i32
      %scan3A_128 = arith.constant 16 : i32
      %scan3A_129 = arith.addi %scan3A_127, %scan3A_128 : i32
      %scan3A_130 = arith.constant 1 : i32
      scf.for %scan3A_132 = %scan3A_127 to %scan3A_129 step %scan3A_130  : i32 {
        %broadcast_in_dim3A = arith.constant 0.000000e+00 : f32
        %broadcast_in_dim3A_133 = vector.broadcast %broadcast_in_dim3A : f32 to vector<16xf32>
        %mul3A_134 = arith.constant 16 : i32
        %mul3A_135 = arith.muli %scan3A_132, %mul3A_134 : i32
        %add3A_136 = arith.constant 0 : i32
        %add3A_137 = arith.addi %mul3A_135, %add3A_136 : i32
        %get3A = arith.index_cast %add3A_137 : i32 to index
        %get3A_138 = arith.constant 0 : index
        %get3A_139 = tpu.vector_load %arg11[%get3A, %get3A_138] {strides = array<i32>} : memref<256x128xf32, #tpu.memory_space<vmem>>, vector<1x16xf32>,
        %get3A_140 = vector.shape_cast %get3A_139 : vector<1x16xf32> to vector<16xf32>
        %get3A_141 = arith.index_cast %add3A_137 : i32 to index
        %get3A_142 = arith.constant 0 : index
        %get3A_143 = tpu.vector_load %arg12[%get3A_141, %get3A_142] {strides = array<i32>} : memref<256x128xf32, #tpu.memory_space<vmem>>, vector<1x16xf32>,
        %get3A_144 = vector.shape_cast %get3A_143 : vector<1x16xf32> to vector<16xf32>
        %mul3A_145 = arith.mulf %get3A_140, %get3A_144 : vector<16xf32>
        %get3A_146 = arith.index_cast %add3A_137 : i32 to index
        %get3A_147 = arith.constant 16 : index
        %get3A_148 = tpu.vector_load %arg11[%get3A_146, %get3A_147] {strides = array<i32>} : memref<256x128xf32, #tpu.memory_space<vmem>>, vector<1x16xf32>,
        %get3A_149 = vector.shape_cast %get3A_148 : vector<1x16xf32> to vector<16xf32>
        %get3A_150 = arith.index_cast %add3A_137 : i32 to index
        %get3A_151 = arith.constant 16 : index
        %get3A_152 = tpu.vector_load %arg12[%get3A_150, %get3A_151] {strides = array<i32>} : memref<256x128xf32, #tpu.memory_space<vmem>>, vector<1x16xf32>,
        %get3A_153 = vector.shape_cast %get3A_152 : vector<1x16xf32> to vector<16xf32>
        %mul3A_154 = arith.mulf %get3A_149, %get3A_153 : vector<16xf32>
        %add3A_155 = arith.addf %mul3A_145, %mul3A_154 : vector<16xf32>
        %get3A_156 = arith.index_cast %add3A_137 : i32 to index
        %get3A_157 = arith.constant 32 : index
        %get3A_158 = tpu.vector_load %arg11[%get3A_156, %get3A_157] {strides = array<i32>} : memref<256x128xf32, #tpu.memory_space<vmem>>, vector<1x16xf32>,
        %get3A_159 = vector.shape_cast %get3A_158 : vector<1x16xf32> to vector<16xf32>
        %get3A_160 = arith.index_cast %add3A_137 : i32 to index
        %get3A_161 = arith.constant 32 : index
        %get3A_162 = tpu.vector_load %arg12[%get3A_160, %get3A_161] {strides = array<i32>} : memref<256x128xf32, #tpu.memory_space<vmem>>, vector<1x16xf32>,
        %get3A_163 = vector.shape_cast %get3A_162 : vector<1x16xf32> to vector<16xf32>
        %mul3A_164 = arith.mulf %get3A_159, %get3A_163 : vector<16xf32>
        %add3A_165 = arith.addf %add3A_155, %mul3A_164 : vector<16xf32>
        %get3A_166 = arith.index_cast %add3A_137 : i32 to index
        %get3A_167 = arith.constant 48 : index
        %get3A_168 = tpu.vector_load %arg11[%get3A_166, %get3A_167] {strides = array<i32>} : memref<256x128xf32, #tpu.memory_space<vmem>>, vector<1x16xf32>,
        %get3A_169 = vector.shape_cast %get3A_168 : vector<1x16xf32> to vector<16xf32>
        %get3A_170 = arith.index_cast %add3A_137 : i32 to index
        %get3A_171 = arith.constant 48 : index
        %get3A_172 = tpu.vector_load %arg12[%get3A_170, %get3A_171] {strides = array<i32>} : memref<256x128xf32, #tpu.memory_space<vmem>>, vector<1x16xf32>,
        %get3A_173 = vector.shape_cast %get3A_172 : vector<1x16xf32> to vector<16xf32>
        %mul3A_174 = arith.mulf %get3A_169, %get3A_173 : vector<16xf32>
        %add3A_175 = arith.addf %add3A_165, %mul3A_174 : vector<16xf32>
        %lt3A_176 = arith.constant 0 : i32
        %lt3A_177 = vector.broadcast %lt3A_176 : i32 to vector<16xi32>
        %lt3A_178 = arith.cmpi slt, %select_n3A_23, %lt3A_177 : vector<16xi32>
        %add3A_179 = arith.constant 16 : i32
        %add3A_180 = vector.broadcast %add3A_179 : i32 to vector<16xi32>
        %add3A_181 = arith.addi %select_n3A_23, %add3A_180 : vector<16xi32>
        %select_n3A_182 = arith.select %lt3A_178, %add3A_181, %select_n3A_23 : vector<16xi1>, vector<16xi32>
        %broadcast_in_dim3A_183 = vector.shape_cast %select_n3A_182 : vector<16xi32> to vector<16x1xi32>
        %gather3A = vector.shape_cast %broadcast_in_dim3A_183 : vector<16x1xi32> to vector<16xi32>
        %gather3A_184 = tpu.dynamic_gather %add3A_175[%gather3A] in [0] : vector<16xf32>, vector<16xi32> -> vector<16xf32>
        %add3A_185 = arith.addf %add3A_175, %gather3A_184 : vector<16xf32>
        %lt3A_186 = arith.constant 0 : i32
        %lt3A_187 = vector.broadcast %lt3A_186 : i32 to vector<16xi32>
        %lt3A_188 = arith.cmpi slt, %select_n3A_48, %lt3A_187 : vector<16xi32>
        %add3A_189 = arith.constant 16 : i32
        %add3A_190 = vector.broadcast %add3A_189 : i32 to vector<16xi32>
        %add3A_191 = arith.addi %select_n3A_48, %add3A_190 : vector<16xi32>
        %select_n3A_192 = arith.select %lt3A_188, %add3A_191, %select_n3A_48 : vector<16xi1>, vector<16xi32>
        %broadcast_in_dim3A_193 = vector.shape_cast %select_n3A_192 : vector<16xi32> to vector<16x1xi32>
        %gather3A_194 = vector.shape_cast %broadcast_in_dim3A_193 : vector<16x1xi32> to vector<16xi32>
        %gather3A_195 = tpu.dynamic_gather %add3A_185[%gather3A_194] in [0] : vector<16xf32>, vector<16xi32> -> vector<16xf32>
        %add3A_196 = arith.addf %add3A_185, %gather3A_195 : vector<16xf32>
        %lt3A_197 = arith.constant 0 : i32
        %lt3A_198 = vector.broadcast %lt3A_197 : i32 to vector<16xi32>
        %lt3A_199 = arith.cmpi slt, %select_n3A_73, %lt3A_198 : vector<16xi32>
        %add3A_200 = arith.constant 16 : i32
        %add3A_201 = vector.broadcast %add3A_200 : i32 to vector<16xi32>
        %add3A_202 = arith.addi %select_n3A_73, %add3A_201 : vector<16xi32>
        %select_n3A_203 = arith.select %lt3A_199, %add3A_202, %select_n3A_73 : vector<16xi1>, vector<16xi32>
        %broadcast_in_dim3A_204 = vector.shape_cast %select_n3A_203 : vector<16xi32> to vector<16x1xi32>
        %gather3A_205 = vector.shape_cast %broadcast_in_dim3A_204 : vector<16x1xi32> to vector<16xi32>
        %gather3A_206 = tpu.dynamic_gather %add3A_196[%gather3A_205] in [0] : vector<16xf32>, vector<16xi32> -> vector<16xf32>
        %add3A_207 = arith.addf %add3A_196, %gather3A_206 : vector<16xf32>
        %lt3A_208 = arith.constant 0 : i32
        %lt3A_209 = vector.broadcast %lt3A_208 : i32 to vector<16xi32>
        %lt3A_210 = arith.cmpi slt, %select_n3A_98, %lt3A_209 : vector<16xi32>
        %add3A_211 = arith.constant 16 : i32
        %add3A_212 = vector.broadcast %add3A_211 : i32 to vector<16xi32>
        %add3A_213 = arith.addi %select_n3A_98, %add3A_212 : vector<16xi32>
        %select_n3A_214 = arith.select %lt3A_210, %add3A_213, %select_n3A_98 : vector<16xi1>, vector<16xi32>
        %broadcast_in_dim3A_215 = vector.shape_cast %select_n3A_214 : vector<16xi32> to vector<16x1xi32>
        %gather3A_216 = vector.shape_cast %broadcast_in_dim3A_215 : vector<16x1xi32> to vector<16xi32>
        %gather3A_217 = tpu.dynamic_gather %add3A_207[%gather3A_216] in [0] : vector<16xf32>, vector<16xi32> -> vector<16xf32>
        %add3A_218 = arith.addf %add3A_207, %gather3A_217 : vector<16xf32>
        %eq3A_219 = arith.constant 0 : i32
        %eq3A_220 = vector.broadcast %eq3A_219 : i32 to vector<16xi32>
        %eq3A_221 = arith.cmpi eq, %iota3A, %eq3A_220 : vector<16xi32>
        %select_n3A_222 = arith.select %eq3A_221, %add3A_218, %broadcast_in_dim3A_133 : vector<16xi1>, vector<16xf32>
        %mul3A_223 = arith.constant 16 : i32
        %mul3A_224 = arith.muli %scan3A_132, %mul3A_223 : i32
        %add3A_225 = arith.constant 1 : i32
        %add3A_226 = arith.addi %mul3A_224, %add3A_225 : i32
        %get3A_227 = arith.index_cast %add3A_226 : i32 to index
        %get3A_228 = arith.constant 0 : index
        %get3A_229 = tpu.vector_load %arg11[%get3A_227, %get3A_228] {strides = array<i32>} : memref<256x128xf32, #tpu.memory_space<vmem>>, vector<1x16xf32>,
        %get3A_230 = vector.shape_cast %get3A_229 : vector<1x16xf32> to vector<16xf32>
        %get3A_231 = arith.index_cast %add3A_226 : i32 to index
        %get3A_232 = arith.constant 0 : index
        %get3A_233 = tpu.vector_load %arg12[%get3A_231, %get3A_232] {strides = array<i32>} : memref<256x128xf32, #tpu.memory_space<vmem>>, vector<1x16xf32>,
        %get3A_234 = vector.shape_cast %get3A_233 : vector<1x16xf32> to vector<16xf32>
        %mul3A_235 = arith.mulf %get3A_230, %get3A_234 : vector<16xf32>
        %get3A_236 = arith.index_cast %add3A_226 : i32 to index
        %get3A_237 = arith.constant 16 : index
        %get3A_238 = tpu.vector_load %arg11[%get3A_236, %get3A_237] {strides = array<i32>} : memref<256x128xf32, #tpu.memory_space<vmem>>, vector<1x16xf32>,
        %get3A_239 = vector.shape_cast %get3A_238 : vector<1x16xf32> to vector<16xf32>
        %get3A_240 = arith.index_cast %add3A_226 : i32 to index
        %get3A_241 = arith.constant 16 : index
        %get3A_242 = tpu.vector_load %arg12[%get3A_240, %get3A_241] {strides = array<i32>} : memref<256x128xf32, #tpu.memory_space<vmem>>, vector<1x16xf32>,
        %get3A_243 = vector.shape_cast %get3A_242 : vector<1x16xf32> to vector<16xf32>
        %mul3A_244 = arith.mulf %get3A_239, %get3A_243 : vector<16xf32>
        %add3A_245 = arith.addf %mul3A_235, %mul3A_244 : vector<16xf32>
        %get3A_246 = arith.index_cast %add3A_226 : i32 to index
        %get3A_247 = arith.constant 32 : index
        %get3A_248 = tpu.vector_load %arg11[%get3A_246, %get3A_247] {strides = array<i32>} : memref<256x128xf32, #tpu.memory_space<vmem>>, vector<1x16xf32>,
        %get3A_249 = vector.shape_cast %get3A_248 : vector<1x16xf32> to vector<16xf32>
        %get3A_250 = arith.index_cast %add3A_226 : i32 to index
        %get3A_251 = arith.constant 32 : index
        %get3A_252 = tpu.vector_load %arg12[%get3A_250, %get3A_251] {strides = array<i32>} : memref<256x128xf32, #tpu.memory_space<vmem>>, vector<1x16xf32>,
        %get3A_253 = vector.shape_cast %get3A_252 : vector<1x16xf32> to vector<16xf32>
        %mul3A_254 = arith.mulf %get3A_249, %get3A_253 : vector<16xf32>
        %add3A_255 = arith.addf %add3A_245, %mul3A_254 : vector<16xf32>
        %get3A_256 = arith.index_cast %add3A_226 : i32 to index
        %get3A_257 = arith.constant 48 : index
        %get3A_258 = tpu.vector_load %arg11[%get3A_256, %get3A_257] {strides = array<i32>} : memref<256x128xf32, #tpu.memory_space<vmem>>, vector<1x16xf32>,
        %get3A_259 = vector.shape_cast %get3A_258 : vector<1x16xf32> to vector<16xf32>
        %get3A_260 = arith.index_cast %add3A_226 : i32 to index
        %get3A_261 = arith.constant 48 : index
        %get3A_262 = tpu.vector_load %arg12[%get3A_260, %get3A_261] {strides = array<i32>} : memref<256x128xf32, #tpu.memory_space<vmem>>, vector<1x16xf32>,
        %get3A_263 = vector.shape_cast %get3A_262 : vector<1x16xf32> to vector<16xf32>
        %mul3A_264 = arith.mulf %get3A_259, %get3A_263 : vector<16xf32>
        %add3A_265 = arith.addf %add3A_255, %mul3A_264 : vector<16xf32>
        %lt3A_266 = arith.constant 0 : i32
        %lt3A_267 = vector.broadcast %lt3A_266 : i32 to vector<16xi32>
        %lt3A_268 = arith.cmpi slt, %select_n3A_23, %lt3A_267 : vector<16xi32>
        %add3A_269 = arith.constant 16 : i32
        %add3A_270 = vector.broadcast %add3A_269 : i32 to vector<16xi32>
        %add3A_271 = arith.addi %select_n3A_23, %add3A_270 : vector<16xi32>
        %select_n3A_272 = arith.select %lt3A_268, %add3A_271, %select_n3A_23 : vector<16xi1>, vector<16xi32>
        %broadcast_in_dim3A_273 = vector.shape_cast %select_n3A_272 : vector<16xi32> to vector<16x1xi32>
        %gather3A_274 = vector.shape_cast %broadcast_in_dim3A_273 : vector<16x1xi32> to vector<16xi32>
        %gather3A_275 = tpu.dynamic_gather %add3A_265[%gather3A_274] in [0] : vector<16xf32>, vector<16xi32> -> vector<16xf32>
        %add3A_276 = arith.addf %add3A_265, %gather3A_275 : vector<16xf32>
        %lt3A_277 = arith.constant 0 : i32
        %lt3A_278 = vector.broadcast %lt3A_277 : i32 to vector<16xi32>
        %lt3A_279 = arith.cmpi slt, %select_n3A_48, %lt3A_278 : vector<16xi32>
        %add3A_280 = arith.constant 16 : i32
        %add3A_281 = vector.broadcast %add3A_280 : i32 to vector<16xi32>
        %add3A_282 = arith.addi %select_n3A_48, %add3A_281 : vector<16xi32>
        %select_n3A_283 = arith.select %lt3A_279, %add3A_282, %select_n3A_48 : vector<16xi1>, vector<16xi32>
        %broadcast_in_dim3A_284 = vector.shape_cast %select_n3A_283 : vector<16xi32> to vector<16x1xi32>
        %gather3A_285 = vector.shape_cast %broadcast_in_dim3A_284 : vector<16x1xi32> to vector<16xi32>
        %gather3A_286 = tpu.dynamic_gather %add3A_276[%gather3A_285] in [0] : vector<16xf32>, vector<16xi32> -> vector<16xf32>
        %add3A_287 = arith.addf %add3A_276, %gather3A_286 : vector<16xf32>
        %lt3A_288 = arith.constant 0 : i32
        %lt3A_289 = vector.broadcast %lt3A_288 : i32 to vector<16xi32>
        %lt3A_290 = arith.cmpi slt, %select_n3A_73, %lt3A_289 : vector<16xi32>
        %add3A_291 = arith.constant 16 : i32
        %add3A_292 = vector.broadcast %add3A_291 : i32 to vector<16xi32>
        %add3A_293 = arith.addi %select_n3A_73, %add3A_292 : vector<16xi32>
        %select_n3A_294 = arith.select %lt3A_290, %add3A_293, %select_n3A_73 : vector<16xi1>, vector<16xi32>
        %broadcast_in_dim3A_295 = vector.shape_cast %select_n3A_294 : vector<16xi32> to vector<16x1xi32>
        %gather3A_296 = vector.shape_cast %broadcast_in_dim3A_295 : vector<16x1xi32> to vector<16xi32>
        %gather3A_297 = tpu.dynamic_gather %add3A_287[%gather3A_296] in [0] : vector<16xf32>, vector<16xi32> -> vector<16xf32>
        %add3A_298 = arith.addf %add3A_287, %gather3A_297 : vector<16xf32>
        %lt3A_299 = arith.constant 0 : i32
        %lt3A_300 = vector.broadcast %lt3A_299 : i32 to vector<16xi32>
        %lt3A_301 = arith.cmpi slt, %select_n3A_98, %lt3A_300 : vector<16xi32>
        %add3A_302 = arith.constant 16 : i32
        %add3A_303 = vector.broadcast %add3A_302 : i32 to vector<16xi32>
        %add3A_304 = arith.addi %select_n3A_98, %add3A_303 : vector<16xi32>
        %select_n3A_305 = arith.select %lt3A_301, %add3A_304, %select_n3A_98 : vector<16xi1>, vector<16xi32>
        %broadcast_in_dim3A_306 = vector.shape_cast %select_n3A_305 : vector<16xi32> to vector<16x1xi32>
        %gather3A_307 = vector.shape_cast %broadcast_in_dim3A_306 : vector<16x1xi32> to vector<16xi32>
        %gather3A_308 = tpu.dynamic_gather %add3A_298[%gather3A_307] in [0] : vector<16xf32>, vector<16xi32> -> vector<16xf32>
        %add3A_309 = arith.addf %add3A_298, %gather3A_308 : vector<16xf32>
        %eq3A_310 = arith.constant 1 : i32
        %eq3A_311 = vector.broadcast %eq3A_310 : i32 to vector<16xi32>
        %eq3A_312 = arith.cmpi eq, %iota3A, %eq3A_311 : vector<16xi32>
        %select_n3A_313 = arith.select %eq3A_312, %add3A_309, %select_n3A_222 : vector<16xi1>, vector<16xf32>
        %mul3A_314 = arith.constant 16 : i32
        %mul3A_315 = arith.muli %scan3A_132, %mul3A_314 : i32
        %add3A_316 = arith.constant 2 : i32
        %add3A_317 = arith.addi %mul3A_315, %add3A_316 : i32
        %get3A_318 = arith.index_cast %add3A_317 : i32 to index
        %get3A_319 = arith.constant 0 : index
        %get3A_320 = tpu.vector_load %arg11[%get3A_318, %get3A_319] {strides = array<i32>} : memref<256x128xf32, #tpu.memory_space<vmem>>, vector<1x16xf32>,
        %get3A_321 = vector.shape_cast %get3A_320 : vector<1x16xf32> to vector<16xf32>
        %get3A_322 = arith.index_cast %add3A_317 : i32 to index
        %get3A_323 = arith.constant 0 : index
        %get3A_324 = tpu.vector_load %arg12[%get3A_322, %get3A_323] {strides = array<i32>} : memref<256x128xf32, #tpu.memory_space<vmem>>, vector<1x16xf32>,
        %get3A_325 = vector.shape_cast %get3A_324 : vector<1x16xf32> to vector<16xf32>
        %mul3A_326 = arith.mulf %get3A_321, %get3A_325 : vector<16xf32>
        %get3A_327 = arith.index_cast %add3A_317 : i32 to index
        %get3A_328 = arith.constant 16 : index
        %get3A_329 = tpu.vector_load %arg11[%get3A_327, %get3A_328] {strides = array<i32>} : memref<256x128xf32, #tpu.memory_space<vmem>>, vector<1x16xf32>,
        %get3A_330 = vector.shape_cast %get3A_329 : vector<1x16xf32> to vector<16xf32>
        %get3A_331 = arith.index_cast %add3A_317 : i32 to index
        %get3A_332 = arith.constant 16 : index
        %get3A_333 = tpu.vector_load %arg12[%get3A_331, %get3A_332] {strides = array<i32>} : memref<256x128xf32, #tpu.memory_space<vmem>>, vector<1x16xf32>,
        %get3A_334 = vector.shape_cast %get3A_333 : vector<1x16xf32> to vector<16xf32>
        %mul3A_335 = arith.mulf %get3A_330, %get3A_334 : vector<16xf32>
        %add3A_336 = arith.addf %mul3A_326, %mul3A_335 : vector<16xf32>
        %get3A_337 = arith.index_cast %add3A_317 : i32 to index
        %get3A_338 = arith.constant 32 : index
        %get3A_339 = tpu.vector_load %arg11[%get3A_337, %get3A_338] {strides = array<i32>} : memref<256x128xf32, #tpu.memory_space<vmem>>, vector<1x16xf32>,
        %get3A_340 = vector.shape_cast %get3A_339 : vector<1x16xf32> to vector<16xf32>
        %get3A_341 = arith.index_cast %add3A_317 : i32 to index
        %get3A_342 = arith.constant 32 : index
        %get3A_343 = tpu.vector_load %arg12[%get3A_341, %get3A_342] {strides = array<i32>} : memref<256x128xf32, #tpu.memory_space<vmem>>, vector<1x16xf32>,
        %get3A_344 = vector.shape_cast %get3A_343 : vector<1x16xf32> to vector<16xf32>
        %mul3A_345 = arith.mulf %get3A_340, %get3A_344 : vector<16xf32>
        %add3A_346 = arith.addf %add3A_336, %mul3A_345 : vector<16xf32>
        %get3A_347 = arith.index_cast %add3A_317 : i32 to index
        %get3A_348 = arith.constant 48 : index
        %get3A_349 = tpu.vector_load %arg11[%get3A_347, %get3A_348] {strides = array<i32>} : memref<256x128xf32, #tpu.memory_space<vmem>>, vector<1x16xf32>,
        %get3A_350 = vector.shape_cast %get3A_349 : vector<1x16xf32> to vector<16xf32>
        %get3A_351 = arith.index_cast %add3A_317 : i32 to index
        %get3A_352 = arith.constant 48 : index
        %get3A_353 = tpu.vector_load %arg12[%get3A_351, %get3A_352] {strides = array<i32>} : memref<256x128xf32, #tpu.memory_space<vmem>>, vector<1x16xf32>,
        %get3A_354 = vector.shape_cast %get3A_353 : vector<1x16xf32> to vector<16xf32>
        %mul3A_355 = arith.mulf %get3A_350, %get3A_354 : vector<16xf32>
        %add3A_356 = arith.addf %add3A_346, %mul3A_355 : vector<16xf32>
        %lt3A_357 = arith.constant 0 : i32
        %lt3A_358 = vector.broadcast %lt3A_357 : i32 to vector<16xi32>
        %lt3A_359 = arith.cmpi slt, %select_n3A_23, %lt3A_358 : vector<16xi32>
        %add3A_360 = arith.constant 16 : i32
        %add3A_361 = vector.broadcast %add3A_360 : i32 to vector<16xi32>
        %add3A_362 = arith.addi %select_n3A_23, %add3A_361 : vector<16xi32>
        %select_n3A_363 = arith.select %lt3A_359, %add3A_362, %select_n3A_23 : vector<16xi1>, vector<16xi32>
        %broadcast_in_dim3A_364 = vector.shape_cast %select_n3A_363 : vector<16xi32> to vector<16x1xi32>
        %gather3A_365 = vector.shape_cast %broadcast_in_dim3A_364 : vector<16x1xi32> to vector<16xi32>
        %gather3A_366 = tpu.dynamic_gather %add3A_356[%gather3A_365] in [0] : vector<16xf32>, vector<16xi32> -> vector<16xf32>
        %add3A_367 = arith.addf %add3A_356, %gather3A_366 : vector<16xf32>
        %lt3A_368 = arith.constant 0 : i32
        %lt3A_369 = vector.broadcast %lt3A_368 : i32 to vector<16xi32>
        %lt3A_370 = arith.cmpi slt, %select_n3A_48, %lt3A_369 : vector<16xi32>
        %add3A_371 = arith.constant 16 : i32
        %add3A_372 = vector.broadcast %add3A_371 : i32 to vector<16xi32>
        %add3A_373 = arith.addi %select_n3A_48, %add3A_372 : vector<16xi32>
        %select_n3A_374 = arith.select %lt3A_370, %add3A_373, %select_n3A_48 : vector<16xi1>, vector<16xi32>
        %broadcast_in_dim3A_375 = vector.shape_cast %select_n3A_374 : vector<16xi32> to vector<16x1xi32>
        %gather3A_376 = vector.shape_cast %broadcast_in_dim3A_375 : vector<16x1xi32> to vector<16xi32>
        %gather3A_377 = tpu.dynamic_gather %add3A_367[%gather3A_376] in [0] : vector<16xf32>, vector<16xi32> -> vector<16xf32>
        %add3A_378 = arith.addf %add3A_367, %gather3A_377 : vector<16xf32>
        %lt3A_379 = arith.constant 0 : i32
        %lt3A_380 = vector.broadcast %lt3A_379 : i32 to vector<16xi32>
        %lt3A_381 = arith.cmpi slt, %select_n3A_73, %lt3A_380 : vector<16xi32>
        %add3A_382 = arith.constant 16 : i32
        %add3A_383 = vector.broadcast %add3A_382 : i32 to vector<16xi32>
        %add3A_384 = arith.addi %select_n3A_73, %add3A_383 : vector<16xi32>
        %select_n3A_385 = arith.select %lt3A_381, %add3A_384, %select_n3A_73 : vector<16xi1>, vector<16xi32>
        %broadcast_in_dim3A_386 = vector.shape_cast %select_n3A_385 : vector<16xi32> to vector<16x1xi32>
        %gather3A_387 = vector.shape_cast %broadcast_in_dim3A_386 : vector<16x1xi32> to vector<16xi32>
        %gather3A_388 = tpu.dynamic_gather %add3A_378[%gather3A_387] in [0] : vector<16xf32>, vector<16xi32> -> vector<16xf32>
        %add3A_389 = arith.addf %add3A_378, %gather3A_388 : vector<16xf32>
        %lt3A_390 = arith.constant 0 : i32
        %lt3A_391 = vector.broadcast %lt3A_390 : i32 to vector<16xi32>
        %lt3A_392 = arith.cmpi slt, %select_n3A_98, %lt3A_391 : vector<16xi32>
        %add3A_393 = arith.constant 16 : i32
        %add3A_394 = vector.broadcast %add3A_393 : i32 to vector<16xi32>
        %add3A_395 = arith.addi %select_n3A_98, %add3A_394 : vector<16xi32>
        %select_n3A_396 = arith.select %lt3A_392, %add3A_395, %select_n3A_98 : vector<16xi1>, vector<16xi32>
        %broadcast_in_dim3A_397 = vector.shape_cast %select_n3A_396 : vector<16xi32> to vector<16x1xi32>
        %gather3A_398 = vector.shape_cast %broadcast_in_dim3A_397 : vector<16x1xi32> to vector<16xi32>
        %gather3A_399 = tpu.dynamic_gather %add3A_389[%gather3A_398] in [0] : vector<16xf32>, vector<16xi32> -> vector<16xf32>
        %add3A_400 = arith.addf %add3A_389, %gather3A_399 : vector<16xf32>
        %eq3A_401 = arith.constant 2 : i32
        %eq3A_402 = vector.broadcast %eq3A_401 : i32 to vector<16xi32>
        %eq3A_403 = arith.cmpi eq, %iota3A, %eq3A_402 : vector<16xi32>
        %select_n3A_404 = arith.select %eq3A_403, %add3A_400, %select_n3A_313 : vector<16xi1>, vector<16xf32>
        %mul3A_405 = arith.constant 16 : i32
        %mul3A_406 = arith.muli %scan3A_132, %mul3A_405 : i32
        %add3A_407 = arith.constant 3 : i32
        %add3A_408 = arith.addi %mul3A_406, %add3A_407 : i32
        %get3A_409 = arith.index_cast %add3A_408 : i32 to index
        %get3A_410 = arith.constant 0 : index
        %get3A_411 = tpu.vector_load %arg11[%get3A_409, %get3A_410] {strides = array<i32>} : memref<256x128xf32, #tpu.memory_space<vmem>>, vector<1x16xf32>,
        %get3A_412 = vector.shape_cast %get3A_411 : vector<1x16xf32> to vector<16xf32>
        %get3A_413 = arith.index_cast %add3A_408 : i32 to index
        %get3A_414 = arith.constant 0 : index
        %get3A_415 = tpu.vector_load %arg12[%get3A_413, %get3A_414] {strides = array<i32>} : memref<256x128xf32, #tpu.memory_space<vmem>>, vector<1x16xf32>,
        %get3A_416 = vector.shape_cast %get3A_415 : vector<1x16xf32> to vector<16xf32>
        %mul3A_417 = arith.mulf %get3A_412, %get3A_416 : vector<16xf32>
        %get3A_418 = arith.index_cast %add3A_408 : i32 to index
        %get3A_419 = arith.constant 16 : index
        %get3A_420 = tpu.vector_load %arg11[%get3A_418, %get3A_419] {strides = array<i32>} : memref<256x128xf32, #tpu.memory_space<vmem>>, vector<1x16xf32>,
        %get3A_421 = vector.shape_cast %get3A_420 : vector<1x16xf32> to vector<16xf32>
        %get3A_422 = arith.index_cast %add3A_408 : i32 to index
        %get3A_423 = arith.constant 16 : index
        %get3A_424 = tpu.vector_load %arg12[%get3A_422, %get3A_423] {strides = array<i32>} : memref<256x128xf32, #tpu.memory_space<vmem>>, vector<1x16xf32>,
        %get3A_425 = vector.shape_cast %get3A_424 : vector<1x16xf32> to vector<16xf32>
        %mul3A_426 = arith.mulf %get3A_421, %get3A_425 : vector<16xf32>
        %add3A_427 = arith.addf %mul3A_417, %mul3A_426 : vector<16xf32>
        %get3A_428 = arith.index_cast %add3A_408 : i32 to index
        %get3A_429 = arith.constant 32 : index
        %get3A_430 = tpu.vector_load %arg11[%get3A_428, %get3A_429] {strides = array<i32>} : memref<256x128xf32, #tpu.memory_space<vmem>>, vector<1x16xf32>,
        %get3A_431 = vector.shape_cast %get3A_430 : vector<1x16xf32> to vector<16xf32>
        %get3A_432 = arith.index_cast %add3A_408 : i32 to index
        %get3A_433 = arith.constant 32 : index
        %get3A_434 = tpu.vector_load %arg12[%get3A_432, %get3A_433] {strides = array<i32>} : memref<256x128xf32, #tpu.memory_space<vmem>>, vector<1x16xf32>,
        %get3A_435 = vector.shape_cast %get3A_434 : vector<1x16xf32> to vector<16xf32>
        %mul3A_436 = arith.mulf %get3A_431, %get3A_435 : vector<16xf32>
        %add3A_437 = arith.addf %add3A_427, %mul3A_436 : vector<16xf32>
        %get3A_438 = arith.index_cast %add3A_408 : i32 to index
        %get3A_439 = arith.constant 48 : index
        %get3A_440 = tpu.vector_load %arg11[%get3A_438, %get3A_439] {strides = array<i32>} : memref<256x128xf32, #tpu.memory_space<vmem>>, vector<1x16xf32>,
        %get3A_441 = vector.shape_cast %get3A_440 : vector<1x16xf32> to vector<16xf32>
        %get3A_442 = arith.index_cast %add3A_408 : i32 to index
        %get3A_443 = arith.constant 48 : index
        %get3A_444 = tpu.vector_load %arg12[%get3A_442, %get3A_443] {strides = array<i32>} : memref<256x128xf32, #tpu.memory_space<vmem>>, vector<1x16xf32>,
        %get3A_445 = vector.shape_cast %get3A_444 : vector<1x16xf32> to vector<16xf32>
        %mul3A_446 = arith.mulf %get3A_441, %get3A_445 : vector<16xf32>
        %add3A_447 = arith.addf %add3A_437, %mul3A_446 : vector<16xf32>
        %lt3A_448 = arith.constant 0 : i32
        %lt3A_449 = vector.broadcast %lt3A_448 : i32 to vector<16xi32>
        %lt3A_450 = arith.cmpi slt, %select_n3A_23, %lt3A_449 : vector<16xi32>
        %add3A_451 = arith.constant 16 : i32
        %add3A_452 = vector.broadcast %add3A_451 : i32 to vector<16xi32>
        %add3A_453 = arith.addi %select_n3A_23, %add3A_452 : vector<16xi32>
        %select_n3A_454 = arith.select %lt3A_450, %add3A_453, %select_n3A_23 : vector<16xi1>, vector<16xi32>
        %broadcast_in_dim3A_455 = vector.shape_cast %select_n3A_454 : vector<16xi32> to vector<16x1xi32>
        %gather3A_456 = vector.shape_cast %broadcast_in_dim3A_455 : vector<16x1xi32> to vector<16xi32>
        %gather3A_457 = tpu.dynamic_gather %add3A_447[%gather3A_456] in [0] : vector<16xf32>, vector<16xi32> -> vector<16xf32>
        %add3A_458 = arith.addf %add3A_447, %gather3A_457 : vector<16xf32>
        %lt3A_459 = arith.constant 0 : i32
        %lt3A_460 = vector.broadcast %lt3A_459 : i32 to vector<16xi32>
        %lt3A_461 = arith.cmpi slt, %select_n3A_48, %lt3A_460 : vector<16xi32>
        %add3A_462 = arith.constant 16 : i32
        %add3A_463 = vector.broadcast %add3A_462 : i32 to vector<16xi32>
        %add3A_464 = arith.addi %select_n3A_48, %add3A_463 : vector<16xi32>
        %select_n3A_465 = arith.select %lt3A_461, %add3A_464, %select_n3A_48 : vector<16xi1>, vector<16xi32>
        %broadcast_in_dim3A_466 = vector.shape_cast %select_n3A_465 : vector<16xi32> to vector<16x1xi32>
        %gather3A_467 = vector.shape_cast %broadcast_in_dim3A_466 : vector<16x1xi32> to vector<16xi32>
        %gather3A_468 = tpu.dynamic_gather %add3A_458[%gather3A_467] in [0] : vector<16xf32>, vector<16xi32> -> vector<16xf32>
        %add3A_469 = arith.addf %add3A_458, %gather3A_468 : vector<16xf32>
        %lt3A_470 = arith.constant 0 : i32
        %lt3A_471 = vector.broadcast %lt3A_470 : i32 to vector<16xi32>
        %lt3A_472 = arith.cmpi slt, %select_n3A_73, %lt3A_471 : vector<16xi32>
        %add3A_473 = arith.constant 16 : i32
        %add3A_474 = vector.broadcast %add3A_473 : i32 to vector<16xi32>
        %add3A_475 = arith.addi %select_n3A_73, %add3A_474 : vector<16xi32>
        %select_n3A_476 = arith.select %lt3A_472, %add3A_475, %select_n3A_73 : vector<16xi1>, vector<16xi32>
        %broadcast_in_dim3A_477 = vector.shape_cast %select_n3A_476 : vector<16xi32> to vector<16x1xi32>
        %gather3A_478 = vector.shape_cast %broadcast_in_dim3A_477 : vector<16x1xi32> to vector<16xi32>
        %gather3A_479 = tpu.dynamic_gather %add3A_469[%gather3A_478] in [0] : vector<16xf32>, vector<16xi32> -> vector<16xf32>
        %add3A_480 = arith.addf %add3A_469, %gather3A_479 : vector<16xf32>
        %lt3A_481 = arith.constant 0 : i32
        %lt3A_482 = vector.broadcast %lt3A_481 : i32 to vector<16xi32>
        %lt3A_483 = arith.cmpi slt, %select_n3A_98, %lt3A_482 : vector<16xi32>
        %add3A_484 = arith.constant 16 : i32
        %add3A_485 = vector.broadcast %add3A_484 : i32 to vector<16xi32>
        %add3A_486 = arith.addi %select_n3A_98, %add3A_485 : vector<16xi32>
        %select_n3A_487 = arith.select %lt3A_483, %add3A_486, %select_n3A_98 : vector<16xi1>, vector<16xi32>
        %broadcast_in_dim3A_488 = vector.shape_cast %select_n3A_487 : vector<16xi32> to vector<16x1xi32>
        %gather3A_489 = vector.shape_cast %broadcast_in_dim3A_488 : vector<16x1xi32> to vector<16xi32>
        %gather3A_490 = tpu.dynamic_gather %add3A_480[%gather3A_489] in [0] : vector<16xf32>, vector<16xi32> -> vector<16xf32>
        %add3A_491 = arith.addf %add3A_480, %gather3A_490 : vector<16xf32>
        %eq3A_492 = arith.constant 3 : i32
        %eq3A_493 = vector.broadcast %eq3A_492 : i32 to vector<16xi32>
        %eq3A_494 = arith.cmpi eq, %iota3A, %eq3A_493 : vector<16xi32>
        %select_n3A_495 = arith.select %eq3A_494, %add3A_491, %select_n3A_404 : vector<16xi1>, vector<16xf32>
        %mul3A_496 = arith.constant 16 : i32
        %mul3A_497 = arith.muli %scan3A_132, %mul3A_496 : i32
        %add3A_498 = arith.constant 4 : i32
        %add3A_499 = arith.addi %mul3A_497, %add3A_498 : i32
        %get3A_500 = arith.index_cast %add3A_499 : i32 to index
        %get3A_501 = arith.constant 0 : index
        %get3A_502 = tpu.vector_load %arg11[%get3A_500, %get3A_501] {strides = array<i32>} : memref<256x128xf32, #tpu.memory_space<vmem>>, vector<1x16xf32>,
        %get3A_503 = vector.shape_cast %get3A_502 : vector<1x16xf32> to vector<16xf32>
        %get3A_504 = arith.index_cast %add3A_499 : i32 to index
        %get3A_505 = arith.constant 0 : index
        %get3A_506 = tpu.vector_load %arg12[%get3A_504, %get3A_505] {strides = array<i32>} : memref<256x128xf32, #tpu.memory_space<vmem>>, vector<1x16xf32>,
        %get3A_507 = vector.shape_cast %get3A_506 : vector<1x16xf32> to vector<16xf32>
        %mul3A_508 = arith.mulf %get3A_503, %get3A_507 : vector<16xf32>
        %get3A_509 = arith.index_cast %add3A_499 : i32 to index
        %get3A_510 = arith.constant 16 : index
        %get3A_511 = tpu.vector_load %arg11[%get3A_509, %get3A_510] {strides = array<i32>} : memref<256x128xf32, #tpu.memory_space<vmem>>, vector<1x16xf32>,
        %get3A_512 = vector.shape_cast %get3A_511 : vector<1x16xf32> to vector<16xf32>
        %get3A_513 = arith.index_cast %add3A_499 : i32 to index
        %get3A_514 = arith.constant 16 : index
        %get3A_515 = tpu.vector_load %arg12[%get3A_513, %get3A_514] {strides = array<i32>} : memref<256x128xf32, #tpu.memory_space<vmem>>, vector<1x16xf32>,
        %get3A_516 = vector.shape_cast %get3A_515 : vector<1x16xf32> to vector<16xf32>
        %mul3A_517 = arith.mulf %get3A_512, %get3A_516 : vector<16xf32>
        %add3A_518 = arith.addf %mul3A_508, %mul3A_517 : vector<16xf32>
        %get3A_519 = arith.index_cast %add3A_499 : i32 to index
        %get3A_520 = arith.constant 32 : index
        %get3A_521 = tpu.vector_load %arg11[%get3A_519, %get3A_520] {strides = array<i32>} : memref<256x128xf32, #tpu.memory_space<vmem>>, vector<1x16xf32>,
        %get3A_522 = vector.shape_cast %get3A_521 : vector<1x16xf32> to vector<16xf32>
        %get3A_523 = arith.index_cast %add3A_499 : i32 to index
        %get3A_524 = arith.constant 32 : index
        %get3A_525 = tpu.vector_load %arg12[%get3A_523, %get3A_524] {strides = array<i32>} : memref<256x128xf32, #tpu.memory_space<vmem>>, vector<1x16xf32>,
        %get3A_526 = vector.shape_cast %get3A_525 : vector<1x16xf32> to vector<16xf32>
        %mul3A_527 = arith.mulf %get3A_522, %get3A_526 : vector<16xf32>
        %add3A_528 = arith.addf %add3A_518, %mul3A_527 : vector<16xf32>
        %get3A_529 = arith.index_cast %add3A_499 : i32 to index
        %get3A_530 = arith.constant 48 : index
        %get3A_531 = tpu.vector_load %arg11[%get3A_529, %get3A_530] {strides = array<i32>} : memref<256x128xf32, #tpu.memory_space<vmem>>, vector<1x16xf32>,
        %get3A_532 = vector.shape_cast %get3A_531 : vector<1x16xf32> to vector<16xf32>
        %get3A_533 = arith.index_cast %add3A_499 : i32 to index
        %get3A_534 = arith.constant 48 : index
        %get3A_535 = tpu.vector_load %arg12[%get3A_533, %get3A_534] {strides = array<i32>} : memref<256x128xf32, #tpu.memory_space<vmem>>, vector<1x16xf32>,
        %get3A_536 = vector.shape_cast %get3A_535 : vector<1x16xf32> to vector<16xf32>
        %mul3A_537 = arith.mulf %get3A_532, %get3A_536 : vector<16xf32>
        %add3A_538 = arith.addf %add3A_528, %mul3A_537 : vector<16xf32>
        %lt3A_539 = arith.constant 0 : i32
        %lt3A_540 = vector.broadcast %lt3A_539 : i32 to vector<16xi32>
        %lt3A_541 = arith.cmpi slt, %select_n3A_23, %lt3A_540 : vector<16xi32>
        %add3A_542 = arith.constant 16 : i32
        %add3A_543 = vector.broadcast %add3A_542 : i32 to vector<16xi32>
        %add3A_544 = arith.addi %select_n3A_23, %add3A_543 : vector<16xi32>
        %select_n3A_545 = arith.select %lt3A_541, %add3A_544, %select_n3A_23 : vector<16xi1>, vector<16xi32>
        %broadcast_in_dim3A_546 = vector.shape_cast %select_n3A_545 : vector<16xi32> to vector<16x1xi32>
        %gather3A_547 = vector.shape_cast %broadcast_in_dim3A_546 : vector<16x1xi32> to vector<16xi32>
        %gather3A_548 = tpu.dynamic_gather %add3A_538[%gather3A_547] in [0] : vector<16xf32>, vector<16xi32> -> vector<16xf32>
        %add3A_549 = arith.addf %add3A_538, %gather3A_548 : vector<16xf32>
        %lt3A_550 = arith.constant 0 : i32
        %lt3A_551 = vector.broadcast %lt3A_550 : i32 to vector<16xi32>
        %lt3A_552 = arith.cmpi slt, %select_n3A_48, %lt3A_551 : vector<16xi32>
        %add3A_553 = arith.constant 16 : i32
        %add3A_554 = vector.broadcast %add3A_553 : i32 to vector<16xi32>
        %add3A_555 = arith.addi %select_n3A_48, %add3A_554 : vector<16xi32>
        %select_n3A_556 = arith.select %lt3A_552, %add3A_555, %select_n3A_48 : vector<16xi1>, vector<16xi32>
        %broadcast_in_dim3A_557 = vector.shape_cast %select_n3A_556 : vector<16xi32> to vector<16x1xi32>
        %gather3A_558 = vector.shape_cast %broadcast_in_dim3A_557 : vector<16x1xi32> to vector<16xi32>
        %gather3A_559 = tpu.dynamic_gather %add3A_549[%gather3A_558] in [0] : vector<16xf32>, vector<16xi32> -> vector<16xf32>
        %add3A_560 = arith.addf %add3A_549, %gather3A_559 : vector<16xf32>
        %lt3A_561 = arith.constant 0 : i32
        %lt3A_562 = vector.broadcast %lt3A_561 : i32 to vector<16xi32>
        %lt3A_563 = arith.cmpi slt, %select_n3A_73, %lt3A_562 : vector<16xi32>
        %add3A_564 = arith.constant 16 : i32
        %add3A_565 = vector.broadcast %add3A_564 : i32 to vector<16xi32>
        %add3A_566 = arith.addi %select_n3A_73, %add3A_565 : vector<16xi32>
        %select_n3A_567 = arith.select %lt3A_563, %add3A_566, %select_n3A_73 : vector<16xi1>, vector<16xi32>
        %broadcast_in_dim3A_568 = vector.shape_cast %select_n3A_567 : vector<16xi32> to vector<16x1xi32>
        %gather3A_569 = vector.shape_cast %broadcast_in_dim3A_568 : vector<16x1xi32> to vector<16xi32>
        %gather3A_570 = tpu.dynamic_gather %add3A_560[%gather3A_569] in [0] : vector<16xf32>, vector<16xi32> -> vector<16xf32>
        %add3A_571 = arith.addf %add3A_560, %gather3A_570 : vector<16xf32>
        %lt3A_572 = arith.constant 0 : i32
        %lt3A_573 = vector.broadcast %lt3A_572 : i32 to vector<16xi32>
        %lt3A_574 = arith.cmpi slt, %select_n3A_98, %lt3A_573 : vector<16xi32>
        %add3A_575 = arith.constant 16 : i32
        %add3A_576 = vector.broadcast %add3A_575 : i32 to vector<16xi32>
        %add3A_577 = arith.addi %select_n3A_98, %add3A_576 : vector<16xi32>
        %select_n3A_578 = arith.select %lt3A_574, %add3A_577, %select_n3A_98 : vector<16xi1>, vector<16xi32>
        %broadcast_in_dim3A_579 = vector.shape_cast %select_n3A_578 : vector<16xi32> to vector<16x1xi32>
        %gather3A_580 = vector.shape_cast %broadcast_in_dim3A_579 : vector<16x1xi32> to vector<16xi32>
        %gather3A_581 = tpu.dynamic_gather %add3A_571[%gather3A_580] in [0] : vector<16xf32>, vector<16xi32> -> vector<16xf32>
        %add3A_582 = arith.addf %add3A_571, %gather3A_581 : vector<16xf32>
        %eq3A_583 = arith.constant 4 : i32
        %eq3A_584 = vector.broadcast %eq3A_583 : i32 to vector<16xi32>
        %eq3A_585 = arith.cmpi eq, %iota3A, %eq3A_584 : vector<16xi32>
        %select_n3A_586 = arith.select %eq3A_585, %add3A_582, %select_n3A_495 : vector<16xi1>, vector<16xf32>
        %mul3A_587 = arith.constant 16 : i32
        %mul3A_588 = arith.muli %scan3A_132, %mul3A_587 : i32
        %add3A_589 = arith.constant 5 : i32
        %add3A_590 = arith.addi %mul3A_588, %add3A_589 : i32
        %get3A_591 = arith.index_cast %add3A_590 : i32 to index
        %get3A_592 = arith.constant 0 : index
        %get3A_593 = tpu.vector_load %arg11[%get3A_591, %get3A_592] {strides = array<i32>} : memref<256x128xf32, #tpu.memory_space<vmem>>, vector<1x16xf32>,
        %get3A_594 = vector.shape_cast %get3A_593 : vector<1x16xf32> to vector<16xf32>
        %get3A_595 = arith.index_cast %add3A_590 : i32 to index
        %get3A_596 = arith.constant 0 : index
        %get3A_597 = tpu.vector_load %arg12[%get3A_595, %get3A_596] {strides = array<i32>} : memref<256x128xf32, #tpu.memory_space<vmem>>, vector<1x16xf32>,
        %get3A_598 = vector.shape_cast %get3A_597 : vector<1x16xf32> to vector<16xf32>
        %mul3A_599 = arith.mulf %get3A_594, %get3A_598 : vector<16xf32>
        %get3A_600 = arith.index_cast %add3A_590 : i32 to index
        %get3A_601 = arith.constant 16 : index
        %get3A_602 = tpu.vector_load %arg11[%get3A_600, %get3A_601] {strides = array<i32>} : memref<256x128xf32, #tpu.memory_space<vmem>>, vector<1x16xf32>,
        %get3A_603 = vector.shape_cast %get3A_602 : vector<1x16xf32> to vector<16xf32>
        %get3A_604 = arith.index_cast %add3A_590 : i32 to index
        %get3A_605 = arith.constant 16 : index
        %get3A_606 = tpu.vector_load %arg12[%get3A_604, %get3A_605] {strides = array<i32>} : memref<256x128xf32, #tpu.memory_space<vmem>>, vector<1x16xf32>,
        %get3A_607 = vector.shape_cast %get3A_606 : vector<1x16xf32> to vector<16xf32>
        %mul3A_608 = arith.mulf %get3A_603, %get3A_607 : vector<16xf32>
        %add3A_609 = arith.addf %mul3A_599, %mul3A_608 : vector<16xf32>
        %get3A_610 = arith.index_cast %add3A_590 : i32 to index
        %get3A_611 = arith.constant 32 : index
        %get3A_612 = tpu.vector_load %arg11[%get3A_610, %get3A_611] {strides = array<i32>} : memref<256x128xf32, #tpu.memory_space<vmem>>, vector<1x16xf32>,
        %get3A_613 = vector.shape_cast %get3A_612 : vector<1x16xf32> to vector<16xf32>
        %get3A_614 = arith.index_cast %add3A_590 : i32 to index
        %get3A_615 = arith.constant 32 : index
        %get3A_616 = tpu.vector_load %arg12[%get3A_614, %get3A_615] {strides = array<i32>} : memref<256x128xf32, #tpu.memory_space<vmem>>, vector<1x16xf32>,
        %get3A_617 = vector.shape_cast %get3A_616 : vector<1x16xf32> to vector<16xf32>
        %mul3A_618 = arith.mulf %get3A_613, %get3A_617 : vector<16xf32>
        %add3A_619 = arith.addf %add3A_609, %mul3A_618 : vector<16xf32>
        %get3A_620 = arith.index_cast %add3A_590 : i32 to index
        %get3A_621 = arith.constant 48 : index
        %get3A_622 = tpu.vector_load %arg11[%get3A_620, %get3A_621] {strides = array<i32>} : memref<256x128xf32, #tpu.memory_space<vmem>>, vector<1x16xf32>,
        %get3A_623 = vector.shape_cast %get3A_622 : vector<1x16xf32> to vector<16xf32>
        %get3A_624 = arith.index_cast %add3A_590 : i32 to index
        %get3A_625 = arith.constant 48 : index
        %get3A_626 = tpu.vector_load %arg12[%get3A_624, %get3A_625] {strides = array<i32>} : memref<256x128xf32, #tpu.memory_space<vmem>>, vector<1x16xf32>,
        %get3A_627 = vector.shape_cast %get3A_626 : vector<1x16xf32> to vector<16xf32>
        %mul3A_628 = arith.mulf %get3A_623, %get3A_627 : vector<16xf32>
        %add3A_629 = arith.addf %add3A_619, %mul3A_628 : vector<16xf32>
        %lt3A_630 = arith.constant 0 : i32
        %lt3A_631 = vector.broadcast %lt3A_630 : i32 to vector<16xi32>
        %lt3A_632 = arith.cmpi slt, %select_n3A_23, %lt3A_631 : vector<16xi32>
        %add3A_633 = arith.constant 16 : i32
        %add3A_634 = vector.broadcast %add3A_633 : i32 to vector<16xi32>
        %add3A_635 = arith.addi %select_n3A_23, %add3A_634 : vector<16xi32>
        %select_n3A_636 = arith.select %lt3A_632, %add3A_635, %select_n3A_23 : vector<16xi1>, vector<16xi32>
        %broadcast_in_dim3A_637 = vector.shape_cast %select_n3A_636 : vector<16xi32> to vector<16x1xi32>
        %gather3A_638 = vector.shape_cast %broadcast_in_dim3A_637 : vector<16x1xi32> to vector<16xi32>
        %gather3A_639 = tpu.dynamic_gather %add3A_629[%gather3A_638] in [0] : vector<16xf32>, vector<16xi32> -> vector<16xf32>
        %add3A_640 = arith.addf %add3A_629, %gather3A_639 : vector<16xf32>
        %lt3A_641 = arith.constant 0 : i32
        %lt3A_642 = vector.broadcast %lt3A_641 : i32 to vector<16xi32>
        %lt3A_643 = arith.cmpi slt, %select_n3A_48, %lt3A_642 : vector<16xi32>
        %add3A_644 = arith.constant 16 : i32
        %add3A_645 = vector.broadcast %add3A_644 : i32 to vector<16xi32>
        %add3A_646 = arith.addi %select_n3A_48, %add3A_645 : vector<16xi32>
        %select_n3A_647 = arith.select %lt3A_643, %add3A_646, %select_n3A_48 : vector<16xi1>, vector<16xi32>
        %broadcast_in_dim3A_648 = vector.shape_cast %select_n3A_647 : vector<16xi32> to vector<16x1xi32>
        %gather3A_649 = vector.shape_cast %broadcast_in_dim3A_648 : vector<16x1xi32> to vector<16xi32>
        %gather3A_650 = tpu.dynamic_gather %add3A_640[%gather3A_649] in [0] : vector<16xf32>, vector<16xi32> -> vector<16xf32>
        %add3A_651 = arith.addf %add3A_640, %gather3A_650 : vector<16xf32>
        %lt3A_652 = arith.constant 0 : i32
        %lt3A_653 = vector.broadcast %lt3A_652 : i32 to vector<16xi32>
        %lt3A_654 = arith.cmpi slt, %select_n3A_73, %lt3A_653 : vector<16xi32>
        %add3A_655 = arith.constant 16 : i32
        %add3A_656 = vector.broadcast %add3A_655 : i32 to vector<16xi32>
        %add3A_657 = arith.addi %select_n3A_73, %add3A_656 : vector<16xi32>
        %select_n3A_658 = arith.select %lt3A_654, %add3A_657, %select_n3A_73 : vector<16xi1>, vector<16xi32>
        %broadcast_in_dim3A_659 = vector.shape_cast %select_n3A_658 : vector<16xi32> to vector<16x1xi32>
        %gather3A_660 = vector.shape_cast %broadcast_in_dim3A_659 : vector<16x1xi32> to vector<16xi32>
        %gather3A_661 = tpu.dynamic_gather %add3A_651[%gather3A_660] in [0] : vector<16xf32>, vector<16xi32> -> vector<16xf32>
        %add3A_662 = arith.addf %add3A_651, %gather3A_661 : vector<16xf32>
        %lt3A_663 = arith.constant 0 : i32
        %lt3A_664 = vector.broadcast %lt3A_663 : i32 to vector<16xi32>
        %lt3A_665 = arith.cmpi slt, %select_n3A_98, %lt3A_664 : vector<16xi32>
        %add3A_666 = arith.constant 16 : i32
        %add3A_667 = vector.broadcast %add3A_666 : i32 to vector<16xi32>
        %add3A_668 = arith.addi %select_n3A_98, %add3A_667 : vector<16xi32>
        %select_n3A_669 = arith.select %lt3A_665, %add3A_668, %select_n3A_98 : vector<16xi1>, vector<16xi32>
        %broadcast_in_dim3A_670 = vector.shape_cast %select_n3A_669 : vector<16xi32> to vector<16x1xi32>
        %gather3A_671 = vector.shape_cast %broadcast_in_dim3A_670 : vector<16x1xi32> to vector<16xi32>
        %gather3A_672 = tpu.dynamic_gather %add3A_662[%gather3A_671] in [0] : vector<16xf32>, vector<16xi32> -> vector<16xf32>
        %add3A_673 = arith.addf %add3A_662, %gather3A_672 : vector<16xf32>
        %eq3A_674 = arith.constant 5 : i32
        %eq3A_675 = vector.broadcast %eq3A_674 : i32 to vector<16xi32>
        %eq3A_676 = arith.cmpi eq, %iota3A, %eq3A_675 : vector<16xi32>
        %select_n3A_677 = arith.select %eq3A_676, %add3A_673, %select_n3A_586 : vector<16xi1>, vector<16xf32>
        %mul3A_678 = arith.constant 16 : i32
        %mul3A_679 = arith.muli %scan3A_132, %mul3A_678 : i32
        %add3A_680 = arith.constant 6 : i32
        %add3A_681 = arith.addi %mul3A_679, %add3A_680 : i32
        %get3A_682 = arith.index_cast %add3A_681 : i32 to index
        %get3A_683 = arith.constant 0 : index
        %get3A_684 = tpu.vector_load %arg11[%get3A_682, %get3A_683] {strides = array<i32>} : memref<256x128xf32, #tpu.memory_space<vmem>>, vector<1x16xf32>,
        %get3A_685 = vector.shape_cast %get3A_684 : vector<1x16xf32> to vector<16xf32>
        %get3A_686 = arith.index_cast %add3A_681 : i32 to index
        %get3A_687 = arith.constant 0 : index
        %get3A_688 = tpu.vector_load %arg12[%get3A_686, %get3A_687] {strides = array<i32>} : memref<256x128xf32, #tpu.memory_space<vmem>>, vector<1x16xf32>,
        %get3A_689 = vector.shape_cast %get3A_688 : vector<1x16xf32> to vector<16xf32>
        %mul3A_690 = arith.mulf %get3A_685, %get3A_689 : vector<16xf32>
        %get3A_691 = arith.index_cast %add3A_681 : i32 to index
        %get3A_692 = arith.constant 16 : index
        %get3A_693 = tpu.vector_load %arg11[%get3A_691, %get3A_692] {strides = array<i32>} : memref<256x128xf32, #tpu.memory_space<vmem>>, vector<1x16xf32>,
        %get3A_694 = vector.shape_cast %get3A_693 : vector<1x16xf32> to vector<16xf32>
        %get3A_695 = arith.index_cast %add3A_681 : i32 to index
        %get3A_696 = arith.constant 16 : index
        %get3A_697 = tpu.vector_load %arg12[%get3A_695, %get3A_696] {strides = array<i32>} : memref<256x128xf32, #tpu.memory_space<vmem>>, vector<1x16xf32>,
        %get3A_698 = vector.shape_cast %get3A_697 : vector<1x16xf32> to vector<16xf32>
        %mul3A_699 = arith.mulf %get3A_694, %get3A_698 : vector<16xf32>
        %add3A_700 = arith.addf %mul3A_690, %mul3A_699 : vector<16xf32>
        %get3A_701 = arith.index_cast %add3A_681 : i32 to index
        %get3A_702 = arith.constant 32 : index
        %get3A_703 = tpu.vector_load %arg11[%get3A_701, %get3A_702] {strides = array<i32>} : memref<256x128xf32, #tpu.memory_space<vmem>>, vector<1x16xf32>,
        %get3A_704 = vector.shape_cast %get3A_703 : vector<1x16xf32> to vector<16xf32>
        %get3A_705 = arith.index_cast %add3A_681 : i32 to index
        %get3A_706 = arith.constant 32 : index
        %get3A_707 = tpu.vector_load %arg12[%get3A_705, %get3A_706] {strides = array<i32>} : memref<256x128xf32, #tpu.memory_space<vmem>>, vector<1x16xf32>,
        %get3A_708 = vector.shape_cast %get3A_707 : vector<1x16xf32> to vector<16xf32>
        %mul3A_709 = arith.mulf %get3A_704, %get3A_708 : vector<16xf32>
        %add3A_710 = arith.addf %add3A_700, %mul3A_709 : vector<16xf32>
        %get3A_711 = arith.index_cast %add3A_681 : i32 to index
        %get3A_712 = arith.constant 48 : index
        %get3A_713 = tpu.vector_load %arg11[%get3A_711, %get3A_712] {strides = array<i32>} : memref<256x128xf32, #tpu.memory_space<vmem>>, vector<1x16xf32>,
        %get3A_714 = vector.shape_cast %get3A_713 : vector<1x16xf32> to vector<16xf32>
        %get3A_715 = arith.index_cast %add3A_681 : i32 to index
        %get3A_716 = arith.constant 48 : index
        %get3A_717 = tpu.vector_load %arg12[%get3A_715, %get3A_716] {strides = array<i32>} : memref<256x128xf32, #tpu.memory_space<vmem>>, vector<1x16xf32>,
        %get3A_718 = vector.shape_cast %get3A_717 : vector<1x16xf32> to vector<16xf32>
        %mul3A_719 = arith.mulf %get3A_714, %get3A_718 : vector<16xf32>
        %add3A_720 = arith.addf %add3A_710, %mul3A_719 : vector<16xf32>
        %lt3A_721 = arith.constant 0 : i32
        %lt3A_722 = vector.broadcast %lt3A_721 : i32 to vector<16xi32>
        %lt3A_723 = arith.cmpi slt, %select_n3A_23, %lt3A_722 : vector<16xi32>
        %add3A_724 = arith.constant 16 : i32
        %add3A_725 = vector.broadcast %add3A_724 : i32 to vector<16xi32>
        %add3A_726 = arith.addi %select_n3A_23, %add3A_725 : vector<16xi32>
        %select_n3A_727 = arith.select %lt3A_723, %add3A_726, %select_n3A_23 : vector<16xi1>, vector<16xi32>
        %broadcast_in_dim3A_728 = vector.shape_cast %select_n3A_727 : vector<16xi32> to vector<16x1xi32>
        %gather3A_729 = vector.shape_cast %broadcast_in_dim3A_728 : vector<16x1xi32> to vector<16xi32>
        %gather3A_730 = tpu.dynamic_gather %add3A_720[%gather3A_729] in [0] : vector<16xf32>, vector<16xi32> -> vector<16xf32>
        %add3A_731 = arith.addf %add3A_720, %gather3A_730 : vector<16xf32>
        %lt3A_732 = arith.constant 0 : i32
        %lt3A_733 = vector.broadcast %lt3A_732 : i32 to vector<16xi32>
        %lt3A_734 = arith.cmpi slt, %select_n3A_48, %lt3A_733 : vector<16xi32>
        %add3A_735 = arith.constant 16 : i32
        %add3A_736 = vector.broadcast %add3A_735 : i32 to vector<16xi32>
        %add3A_737 = arith.addi %select_n3A_48, %add3A_736 : vector<16xi32>
        %select_n3A_738 = arith.select %lt3A_734, %add3A_737, %select_n3A_48 : vector<16xi1>, vector<16xi32>
        %broadcast_in_dim3A_739 = vector.shape_cast %select_n3A_738 : vector<16xi32> to vector<16x1xi32>
        %gather3A_740 = vector.shape_cast %broadcast_in_dim3A_739 : vector<16x1xi32> to vector<16xi32>
        %gather3A_741 = tpu.dynamic_gather %add3A_731[%gather3A_740] in [0] : vector<16xf32>, vector<16xi32> -> vector<16xf32>
        %add3A_742 = arith.addf %add3A_731, %gather3A_741 : vector<16xf32>
        %lt3A_743 = arith.constant 0 : i32
        %lt3A_744 = vector.broadcast %lt3A_743 : i32 to vector<16xi32>
        %lt3A_745 = arith.cmpi slt, %select_n3A_73, %lt3A_744 : vector<16xi32>
        %add3A_746 = arith.constant 16 : i32
        %add3A_747 = vector.broadcast %add3A_746 : i32 to vector<16xi32>
        %add3A_748 = arith.addi %select_n3A_73, %add3A_747 : vector<16xi32>
        %select_n3A_749 = arith.select %lt3A_745, %add3A_748, %select_n3A_73 : vector<16xi1>, vector<16xi32>
        %broadcast_in_dim3A_750 = vector.shape_cast %select_n3A_749 : vector<16xi32> to vector<16x1xi32>
        %gather3A_751 = vector.shape_cast %broadcast_in_dim3A_750 : vector<16x1xi32> to vector<16xi32>
        %gather3A_752 = tpu.dynamic_gather %add3A_742[%gather3A_751] in [0] : vector<16xf32>, vector<16xi32> -> vector<16xf32>
        %add3A_753 = arith.addf %add3A_742, %gather3A_752 : vector<16xf32>
        %lt3A_754 = arith.constant 0 : i32
        %lt3A_755 = vector.broadcast %lt3A_754 : i32 to vector<16xi32>
        %lt3A_756 = arith.cmpi slt, %select_n3A_98, %lt3A_755 : vector<16xi32>
        %add3A_757 = arith.constant 16 : i32
        %add3A_758 = vector.broadcast %add3A_757 : i32 to vector<16xi32>
        %add3A_759 = arith.addi %select_n3A_98, %add3A_758 : vector<16xi32>
        %select_n3A_760 = arith.select %lt3A_756, %add3A_759, %select_n3A_98 : vector<16xi1>, vector<16xi32>
        %broadcast_in_dim3A_761 = vector.shape_cast %select_n3A_760 : vector<16xi32> to vector<16x1xi32>
        %gather3A_762 = vector.shape_cast %broadcast_in_dim3A_761 : vector<16x1xi32> to vector<16xi32>
        %gather3A_763 = tpu.dynamic_gather %add3A_753[%gather3A_762] in [0] : vector<16xf32>, vector<16xi32> -> vector<16xf32>
        %add3A_764 = arith.addf %add3A_753, %gather3A_763 : vector<16xf32>
        %eq3A_765 = arith.constant 6 : i32
        %eq3A_766 = vector.broadcast %eq3A_765 : i32 to vector<16xi32>
        %eq3A_767 = arith.cmpi eq, %iota3A, %eq3A_766 : vector<16xi32>
        %select_n3A_768 = arith.select %eq3A_767, %add3A_764, %select_n3A_677 : vector<16xi1>, vector<16xf32>
        %mul3A_769 = arith.constant 16 : i32
        %mul3A_770 = arith.muli %scan3A_132, %mul3A_769 : i32
        %add3A_771 = arith.constant 7 : i32
        %add3A_772 = arith.addi %mul3A_770, %add3A_771 : i32
        %get3A_773 = arith.index_cast %add3A_772 : i32 to index
        %get3A_774 = arith.constant 0 : index
        %get3A_775 = tpu.vector_load %arg11[%get3A_773, %get3A_774] {strides = array<i32>} : memref<256x128xf32, #tpu.memory_space<vmem>>, vector<1x16xf32>,
        %get3A_776 = vector.shape_cast %get3A_775 : vector<1x16xf32> to vector<16xf32>
        %get3A_777 = arith.index_cast %add3A_772 : i32 to index
        %get3A_778 = arith.constant 0 : index
        %get3A_779 = tpu.vector_load %arg12[%get3A_777, %get3A_778] {strides = array<i32>} : memref<256x128xf32, #tpu.memory_space<vmem>>, vector<1x16xf32>,
        %get3A_780 = vector.shape_cast %get3A_779 : vector<1x16xf32> to vector<16xf32>
        %mul3A_781 = arith.mulf %get3A_776, %get3A_780 : vector<16xf32>
        %get3A_782 = arith.index_cast %add3A_772 : i32 to index
        %get3A_783 = arith.constant 16 : index
        %get3A_784 = tpu.vector_load %arg11[%get3A_782, %get3A_783] {strides = array<i32>} : memref<256x128xf32, #tpu.memory_space<vmem>>, vector<1x16xf32>,
        %get3A_785 = vector.shape_cast %get3A_784 : vector<1x16xf32> to vector<16xf32>
        %get3A_786 = arith.index_cast %add3A_772 : i32 to index
        %get3A_787 = arith.constant 16 : index
        %get3A_788 = tpu.vector_load %arg12[%get3A_786, %get3A_787] {strides = array<i32>} : memref<256x128xf32, #tpu.memory_space<vmem>>, vector<1x16xf32>,
        %get3A_789 = vector.shape_cast %get3A_788 : vector<1x16xf32> to vector<16xf32>
        %mul3A_790 = arith.mulf %get3A_785, %get3A_789 : vector<16xf32>
        %add3A_791 = arith.addf %mul3A_781, %mul3A_790 : vector<16xf32>
        %get3A_792 = arith.index_cast %add3A_772 : i32 to index
        %get3A_793 = arith.constant 32 : index
        %get3A_794 = tpu.vector_load %arg11[%get3A_792, %get3A_793] {strides = array<i32>} : memref<256x128xf32, #tpu.memory_space<vmem>>, vector<1x16xf32>,
        %get3A_795 = vector.shape_cast %get3A_794 : vector<1x16xf32> to vector<16xf32>
        %get3A_796 = arith.index_cast %add3A_772 : i32 to index
        %get3A_797 = arith.constant 32 : index
        %get3A_798 = tpu.vector_load %arg12[%get3A_796, %get3A_797] {strides = array<i32>} : memref<256x128xf32, #tpu.memory_space<vmem>>, vector<1x16xf32>,
        %get3A_799 = vector.shape_cast %get3A_798 : vector<1x16xf32> to vector<16xf32>
        %mul3A_800 = arith.mulf %get3A_795, %get3A_799 : vector<16xf32>
        %add3A_801 = arith.addf %add3A_791, %mul3A_800 : vector<16xf32>
        %get3A_802 = arith.index_cast %add3A_772 : i32 to index
        %get3A_803 = arith.constant 48 : index
        %get3A_804 = tpu.vector_load %arg11[%get3A_802, %get3A_803] {strides = array<i32>} : memref<256x128xf32, #tpu.memory_space<vmem>>, vector<1x16xf32>,
        %get3A_805 = vector.shape_cast %get3A_804 : vector<1x16xf32> to vector<16xf32>
        %get3A_806 = arith.index_cast %add3A_772 : i32 to index
        %get3A_807 = arith.constant 48 : index
        %get3A_808 = tpu.vector_load %arg12[%get3A_806, %get3A_807] {strides = array<i32>} : memref<256x128xf32, #tpu.memory_space<vmem>>, vector<1x16xf32>,
        %get3A_809 = vector.shape_cast %get3A_808 : vector<1x16xf32> to vector<16xf32>
        %mul3A_810 = arith.mulf %get3A_805, %get3A_809 : vector<16xf32>
        %add3A_811 = arith.addf %add3A_801, %mul3A_810 : vector<16xf32>
        %lt3A_812 = arith.constant 0 : i32
        %lt3A_813 = vector.broadcast %lt3A_812 : i32 to vector<16xi32>
        %lt3A_814 = arith.cmpi slt, %select_n3A_23, %lt3A_813 : vector<16xi32>
        %add3A_815 = arith.constant 16 : i32
        %add3A_816 = vector.broadcast %add3A_815 : i32 to vector<16xi32>
        %add3A_817 = arith.addi %select_n3A_23, %add3A_816 : vector<16xi32>
        %select_n3A_818 = arith.select %lt3A_814, %add3A_817, %select_n3A_23 : vector<16xi1>, vector<16xi32>
        %broadcast_in_dim3A_819 = vector.shape_cast %select_n3A_818 : vector<16xi32> to vector<16x1xi32>
        %gather3A_820 = vector.shape_cast %broadcast_in_dim3A_819 : vector<16x1xi32> to vector<16xi32>
        %gather3A_821 = tpu.dynamic_gather %add3A_811[%gather3A_820] in [0] : vector<16xf32>, vector<16xi32> -> vector<16xf32>
        %add3A_822 = arith.addf %add3A_811, %gather3A_821 : vector<16xf32>
        %lt3A_823 = arith.constant 0 : i32
        %lt3A_824 = vector.broadcast %lt3A_823 : i32 to vector<16xi32>
        %lt3A_825 = arith.cmpi slt, %select_n3A_48, %lt3A_824 : vector<16xi32>
        %add3A_826 = arith.constant 16 : i32
        %add3A_827 = vector.broadcast %add3A_826 : i32 to vector<16xi32>
        %add3A_828 = arith.addi %select_n3A_48, %add3A_827 : vector<16xi32>
        %select_n3A_829 = arith.select %lt3A_825, %add3A_828, %select_n3A_48 : vector<16xi1>, vector<16xi32>
        %broadcast_in_dim3A_830 = vector.shape_cast %select_n3A_829 : vector<16xi32> to vector<16x1xi32>
        %gather3A_831 = vector.shape_cast %broadcast_in_dim3A_830 : vector<16x1xi32> to vector<16xi32>
        %gather3A_832 = tpu.dynamic_gather %add3A_822[%gather3A_831] in [0] : vector<16xf32>, vector<16xi32> -> vector<16xf32>
        %add3A_833 = arith.addf %add3A_822, %gather3A_832 : vector<16xf32>
        %lt3A_834 = arith.constant 0 : i32
        %lt3A_835 = vector.broadcast %lt3A_834 : i32 to vector<16xi32>
        %lt3A_836 = arith.cmpi slt, %select_n3A_73, %lt3A_835 : vector<16xi32>
        %add3A_837 = arith.constant 16 : i32
        %add3A_838 = vector.broadcast %add3A_837 : i32 to vector<16xi32>
        %add3A_839 = arith.addi %select_n3A_73, %add3A_838 : vector<16xi32>
        %select_n3A_840 = arith.select %lt3A_836, %add3A_839, %select_n3A_73 : vector<16xi1>, vector<16xi32>
        %broadcast_in_dim3A_841 = vector.shape_cast %select_n3A_840 : vector<16xi32> to vector<16x1xi32>
        %gather3A_842 = vector.shape_cast %broadcast_in_dim3A_841 : vector<16x1xi32> to vector<16xi32>
        %gather3A_843 = tpu.dynamic_gather %add3A_833[%gather3A_842] in [0] : vector<16xf32>, vector<16xi32> -> vector<16xf32>
        %add3A_844 = arith.addf %add3A_833, %gather3A_843 : vector<16xf32>
        %lt3A_845 = arith.constant 0 : i32
        %lt3A_846 = vector.broadcast %lt3A_845 : i32 to vector<16xi32>
        %lt3A_847 = arith.cmpi slt, %select_n3A_98, %lt3A_846 : vector<16xi32>
        %add3A_848 = arith.constant 16 : i32
        %add3A_849 = vector.broadcast %add3A_848 : i32 to vector<16xi32>
        %add3A_850 = arith.addi %select_n3A_98, %add3A_849 : vector<16xi32>
        %select_n3A_851 = arith.select %lt3A_847, %add3A_850, %select_n3A_98 : vector<16xi1>, vector<16xi32>
        %broadcast_in_dim3A_852 = vector.shape_cast %select_n3A_851 : vector<16xi32> to vector<16x1xi32>
        %gather3A_853 = vector.shape_cast %broadcast_in_dim3A_852 : vector<16x1xi32> to vector<16xi32>
        %gather3A_854 = tpu.dynamic_gather %add3A_844[%gather3A_853] in [0] : vector<16xf32>, vector<16xi32> -> vector<16xf32>
        %add3A_855 = arith.addf %add3A_844, %gather3A_854 : vector<16xf32>
        %eq3A_856 = arith.constant 7 : i32
        %eq3A_857 = vector.broadcast %eq3A_856 : i32 to vector<16xi32>
        %eq3A_858 = arith.cmpi eq, %iota3A, %eq3A_857 : vector<16xi32>
        %select_n3A_859 = arith.select %eq3A_858, %add3A_855, %select_n3A_768 : vector<16xi1>, vector<16xf32>
        %mul3A_860 = arith.constant 16 : i32
        %mul3A_861 = arith.muli %scan3A_132, %mul3A_860 : i32
        %add3A_862 = arith.constant 8 : i32
        %add3A_863 = arith.addi %mul3A_861, %add3A_862 : i32
        %get3A_864 = arith.index_cast %add3A_863 : i32 to index
        %get3A_865 = arith.constant 0 : index
        %get3A_866 = tpu.vector_load %arg11[%get3A_864, %get3A_865] {strides = array<i32>} : memref<256x128xf32, #tpu.memory_space<vmem>>, vector<1x16xf32>,
        %get3A_867 = vector.shape_cast %get3A_866 : vector<1x16xf32> to vector<16xf32>
        %get3A_868 = arith.index_cast %add3A_863 : i32 to index
        %get3A_869 = arith.constant 0 : index
        %get3A_870 = tpu.vector_load %arg12[%get3A_868, %get3A_869] {strides = array<i32>} : memref<256x128xf32, #tpu.memory_space<vmem>>, vector<1x16xf32>,
        %get3A_871 = vector.shape_cast %get3A_870 : vector<1x16xf32> to vector<16xf32>
        %mul3A_872 = arith.mulf %get3A_867, %get3A_871 : vector<16xf32>
        %get3A_873 = arith.index_cast %add3A_863 : i32 to index
        %get3A_874 = arith.constant 16 : index
        %get3A_875 = tpu.vector_load %arg11[%get3A_873, %get3A_874] {strides = array<i32>} : memref<256x128xf32, #tpu.memory_space<vmem>>, vector<1x16xf32>,
        %get3A_876 = vector.shape_cast %get3A_875 : vector<1x16xf32> to vector<16xf32>
        %get3A_877 = arith.index_cast %add3A_863 : i32 to index
        %get3A_878 = arith.constant 16 : index
        %get3A_879 = tpu.vector_load %arg12[%get3A_877, %get3A_878] {strides = array<i32>} : memref<256x128xf32, #tpu.memory_space<vmem>>, vector<1x16xf32>,
        %get3A_880 = vector.shape_cast %get3A_879 : vector<1x16xf32> to vector<16xf32>
        %mul3A_881 = arith.mulf %get3A_876, %get3A_880 : vector<16xf32>
        %add3A_882 = arith.addf %mul3A_872, %mul3A_881 : vector<16xf32>
        %get3A_883 = arith.index_cast %add3A_863 : i32 to index
        %get3A_884 = arith.constant 32 : index
        %get3A_885 = tpu.vector_load %arg11[%get3A_883, %get3A_884] {strides = array<i32>} : memref<256x128xf32, #tpu.memory_space<vmem>>, vector<1x16xf32>,
        %get3A_886 = vector.shape_cast %get3A_885 : vector<1x16xf32> to vector<16xf32>
        %get3A_887 = arith.index_cast %add3A_863 : i32 to index
        %get3A_888 = arith.constant 32 : index
        %get3A_889 = tpu.vector_load %arg12[%get3A_887, %get3A_888] {strides = array<i32>} : memref<256x128xf32, #tpu.memory_space<vmem>>, vector<1x16xf32>,
        %get3A_890 = vector.shape_cast %get3A_889 : vector<1x16xf32> to vector<16xf32>
        %mul3A_891 = arith.mulf %get3A_886, %get3A_890 : vector<16xf32>
        %add3A_892 = arith.addf %add3A_882, %mul3A_891 : vector<16xf32>
        %get3A_893 = arith.index_cast %add3A_863 : i32 to index
        %get3A_894 = arith.constant 48 : index
        %get3A_895 = tpu.vector_load %arg11[%get3A_893, %get3A_894] {strides = array<i32>} : memref<256x128xf32, #tpu.memory_space<vmem>>, vector<1x16xf32>,
        %get3A_896 = vector.shape_cast %get3A_895 : vector<1x16xf32> to vector<16xf32>
        %get3A_897 = arith.index_cast %add3A_863 : i32 to index
        %get3A_898 = arith.constant 48 : index
        %get3A_899 = tpu.vector_load %arg12[%get3A_897, %get3A_898] {strides = array<i32>} : memref<256x128xf32, #tpu.memory_space<vmem>>, vector<1x16xf32>,
        %get3A_900 = vector.shape_cast %get3A_899 : vector<1x16xf32> to vector<16xf32>
        %mul3A_901 = arith.mulf %get3A_896, %get3A_900 : vector<16xf32>
        %add3A_902 = arith.addf %add3A_892, %mul3A_901 : vector<16xf32>
        %lt3A_903 = arith.constant 0 : i32
        %lt3A_904 = vector.broadcast %lt3A_903 : i32 to vector<16xi32>
        %lt3A_905 = arith.cmpi slt, %select_n3A_23, %lt3A_904 : vector<16xi32>
        %add3A_906 = arith.constant 16 : i32
        %add3A_907 = vector.broadcast %add3A_906 : i32 to vector<16xi32>
        %add3A_908 = arith.addi %select_n3A_23, %add3A_907 : vector<16xi32>
        %select_n3A_909 = arith.select %lt3A_905, %add3A_908, %select_n3A_23 : vector<16xi1>, vector<16xi32>
        %broadcast_in_dim3A_910 = vector.shape_cast %select_n3A_909 : vector<16xi32> to vector<16x1xi32>
        %gather3A_911 = vector.shape_cast %broadcast_in_dim3A_910 : vector<16x1xi32> to vector<16xi32>
        %gather3A_912 = tpu.dynamic_gather %add3A_902[%gather3A_911] in [0] : vector<16xf32>, vector<16xi32> -> vector<16xf32>
        %add3A_913 = arith.addf %add3A_902, %gather3A_912 : vector<16xf32>
        %lt3A_914 = arith.constant 0 : i32
        %lt3A_915 = vector.broadcast %lt3A_914 : i32 to vector<16xi32>
        %lt3A_916 = arith.cmpi slt, %select_n3A_48, %lt3A_915 : vector<16xi32>
        %add3A_917 = arith.constant 16 : i32
        %add3A_918 = vector.broadcast %add3A_917 : i32 to vector<16xi32>
        %add3A_919 = arith.addi %select_n3A_48, %add3A_918 : vector<16xi32>
        %select_n3A_920 = arith.select %lt3A_916, %add3A_919, %select_n3A_48 : vector<16xi1>, vector<16xi32>
        %broadcast_in_dim3A_921 = vector.shape_cast %select_n3A_920 : vector<16xi32> to vector<16x1xi32>
        %gather3A_922 = vector.shape_cast %broadcast_in_dim3A_921 : vector<16x1xi32> to vector<16xi32>
        %gather3A_923 = tpu.dynamic_gather %add3A_913[%gather3A_922] in [0] : vector<16xf32>, vector<16xi32> -> vector<16xf32>
        %add3A_924 = arith.addf %add3A_913, %gather3A_923 : vector<16xf32>
        %lt3A_925 = arith.constant 0 : i32
        %lt3A_926 = vector.broadcast %lt3A_925 : i32 to vector<16xi32>
        %lt3A_927 = arith.cmpi slt, %select_n3A_73, %lt3A_926 : vector<16xi32>
        %add3A_928 = arith.constant 16 : i32
        %add3A_929 = vector.broadcast %add3A_928 : i32 to vector<16xi32>
        %add3A_930 = arith.addi %select_n3A_73, %add3A_929 : vector<16xi32>
        %select_n3A_931 = arith.select %lt3A_927, %add3A_930, %select_n3A_73 : vector<16xi1>, vector<16xi32>
        %broadcast_in_dim3A_932 = vector.shape_cast %select_n3A_931 : vector<16xi32> to vector<16x1xi32>
        %gather3A_933 = vector.shape_cast %broadcast_in_dim3A_932 : vector<16x1xi32> to vector<16xi32>
        %gather3A_934 = tpu.dynamic_gather %add3A_924[%gather3A_933] in [0] : vector<16xf32>, vector<16xi32> -> vector<16xf32>
        %add3A_935 = arith.addf %add3A_924, %gather3A_934 : vector<16xf32>
        %lt3A_936 = arith.constant 0 : i32
        %lt3A_937 = vector.broadcast %lt3A_936 : i32 to vector<16xi32>
        %lt3A_938 = arith.cmpi slt, %select_n3A_98, %lt3A_937 : vector<16xi32>
        %add3A_939 = arith.constant 16 : i32
        %add3A_940 = vector.broadcast %add3A_939 : i32 to vector<16xi32>
        %add3A_941 = arith.addi %select_n3A_98, %add3A_940 : vector<16xi32>
        %select_n3A_942 = arith.select %lt3A_938, %add3A_941, %select_n3A_98 : vector<16xi1>, vector<16xi32>
        %broadcast_in_dim3A_943 = vector.shape_cast %select_n3A_942 : vector<16xi32> to vector<16x1xi32>
        %gather3A_944 = vector.shape_cast %broadcast_in_dim3A_943 : vector<16x1xi32> to vector<16xi32>
        %gather3A_945 = tpu.dynamic_gather %add3A_935[%gather3A_944] in [0] : vector<16xf32>, vector<16xi32> -> vector<16xf32>
        %add3A_946 = arith.addf %add3A_935, %gather3A_945 : vector<16xf32>
        %eq3A_947 = arith.constant 8 : i32
        %eq3A_948 = vector.broadcast %eq3A_947 : i32 to vector<16xi32>
        %eq3A_949 = arith.cmpi eq, %iota3A, %eq3A_948 : vector<16xi32>
        %select_n3A_950 = arith.select %eq3A_949, %add3A_946, %select_n3A_859 : vector<16xi1>, vector<16xf32>
        %mul3A_951 = arith.constant 16 : i32
        %mul3A_952 = arith.muli %scan3A_132, %mul3A_951 : i32
        %add3A_953 = arith.constant 9 : i32
        %add3A_954 = arith.addi %mul3A_952, %add3A_953 : i32
        %get3A_955 = arith.index_cast %add3A_954 : i32 to index
        %get3A_956 = arith.constant 0 : index
        %get3A_957 = tpu.vector_load %arg11[%get3A_955, %get3A_956] {strides = array<i32>} : memref<256x128xf32, #tpu.memory_space<vmem>>, vector<1x16xf32>,
        %get3A_958 = vector.shape_cast %get3A_957 : vector<1x16xf32> to vector<16xf32>
        %get3A_959 = arith.index_cast %add3A_954 : i32 to index
        %get3A_960 = arith.constant 0 : index
        %get3A_961 = tpu.vector_load %arg12[%get3A_959, %get3A_960] {strides = array<i32>} : memref<256x128xf32, #tpu.memory_space<vmem>>, vector<1x16xf32>,
        %get3A_962 = vector.shape_cast %get3A_961 : vector<1x16xf32> to vector<16xf32>
        %mul3A_963 = arith.mulf %get3A_958, %get3A_962 : vector<16xf32>
        %get3A_964 = arith.index_cast %add3A_954 : i32 to index
        %get3A_965 = arith.constant 16 : index
        %get3A_966 = tpu.vector_load %arg11[%get3A_964, %get3A_965] {strides = array<i32>} : memref<256x128xf32, #tpu.memory_space<vmem>>, vector<1x16xf32>,
        %get3A_967 = vector.shape_cast %get3A_966 : vector<1x16xf32> to vector<16xf32>
        %get3A_968 = arith.index_cast %add3A_954 : i32 to index
        %get3A_969 = arith.constant 16 : index
        %get3A_970 = tpu.vector_load %arg12[%get3A_968, %get3A_969] {strides = array<i32>} : memref<256x128xf32, #tpu.memory_space<vmem>>, vector<1x16xf32>,
        %get3A_971 = vector.shape_cast %get3A_970 : vector<1x16xf32> to vector<16xf32>
        %mul3A_972 = arith.mulf %get3A_967, %get3A_971 : vector<16xf32>
        %add3A_973 = arith.addf %mul3A_963, %mul3A_972 : vector<16xf32>
        %get3A_974 = arith.index_cast %add3A_954 : i32 to index
        %get3A_975 = arith.constant 32 : index
        %get3A_976 = tpu.vector_load %arg11[%get3A_974, %get3A_975] {strides = array<i32>} : memref<256x128xf32, #tpu.memory_space<vmem>>, vector<1x16xf32>,
        %get3A_977 = vector.shape_cast %get3A_976 : vector<1x16xf32> to vector<16xf32>
        %get3A_978 = arith.index_cast %add3A_954 : i32 to index
        %get3A_979 = arith.constant 32 : index
        %get3A_980 = tpu.vector_load %arg12[%get3A_978, %get3A_979] {strides = array<i32>} : memref<256x128xf32, #tpu.memory_space<vmem>>, vector<1x16xf32>,
        %get3A_981 = vector.shape_cast %get3A_980 : vector<1x16xf32> to vector<16xf32>
        %mul3A_982 = arith.mulf %get3A_977, %get3A_981 : vector<16xf32>
        %add3A_983 = arith.addf %add3A_973, %mul3A_982 : vector<16xf32>
        %get3A_984 = arith.index_cast %add3A_954 : i32 to index
        %get3A_985 = arith.constant 48 : index
        %get3A_986 = tpu.vector_load %arg11[%get3A_984, %get3A_985] {strides = array<i32>} : memref<256x128xf32, #tpu.memory_space<vmem>>, vector<1x16xf32>,
        %get3A_987 = vector.shape_cast %get3A_986 : vector<1x16xf32> to vector<16xf32>
        %get3A_988 = arith.index_cast %add3A_954 : i32 to index
        %get3A_989 = arith.constant 48 : index
        %get3A_990 = tpu.vector_load %arg12[%get3A_988, %get3A_989] {strides = array<i32>} : memref<256x128xf32, #tpu.memory_space<vmem>>, vector<1x16xf32>,
        %get3A_991 = vector.shape_cast %get3A_990 : vector<1x16xf32> to vector<16xf32>
        %mul3A_992 = arith.mulf %get3A_987, %get3A_991 : vector<16xf32>
        %add3A_993 = arith.addf %add3A_983, %mul3A_992 : vector<16xf32>
        %lt3A_994 = arith.constant 0 : i32
        %lt3A_995 = vector.broadcast %lt3A_994 : i32 to vector<16xi32>
        %lt3A_996 = arith.cmpi slt, %select_n3A_23, %lt3A_995 : vector<16xi32>
        %add3A_997 = arith.constant 16 : i32
        %add3A_998 = vector.broadcast %add3A_997 : i32 to vector<16xi32>
        %add3A_999 = arith.addi %select_n3A_23, %add3A_998 : vector<16xi32>
        %select_n3A_1000 = arith.select %lt3A_996, %add3A_999, %select_n3A_23 : vector<16xi1>, vector<16xi32>
        %broadcast_in_dim3A_1001 = vector.shape_cast %select_n3A_1000 : vector<16xi32> to vector<16x1xi32>
        %gather3A_1002 = vector.shape_cast %broadcast_in_dim3A_1001 : vector<16x1xi32> to vector<16xi32>
        %gather3A_1003 = tpu.dynamic_gather %add3A_993[%gather3A_1002] in [0] : vector<16xf32>, vector<16xi32> -> vector<16xf32>
        %add3A_1004 = arith.addf %add3A_993, %gather3A_1003 : vector<16xf32>
        %lt3A_1005 = arith.constant 0 : i32
        %lt3A_1006 = vector.broadcast %lt3A_1005 : i32 to vector<16xi32>
        %lt3A_1007 = arith.cmpi slt, %select_n3A_48, %lt3A_1006 : vector<16xi32>
        %add3A_1008 = arith.constant 16 : i32
        %add3A_1009 = vector.broadcast %add3A_1008 : i32 to vector<16xi32>
        %add3A_1010 = arith.addi %select_n3A_48, %add3A_1009 : vector<16xi32>
        %select_n3A_1011 = arith.select %lt3A_1007, %add3A_1010, %select_n3A_48 : vector<16xi1>, vector<16xi32>
        %broadcast_in_dim3A_1012 = vector.shape_cast %select_n3A_1011 : vector<16xi32> to vector<16x1xi32>
        %gather3A_1013 = vector.shape_cast %broadcast_in_dim3A_1012 : vector<16x1xi32> to vector<16xi32>
        %gather3A_1014 = tpu.dynamic_gather %add3A_1004[%gather3A_1013] in [0] : vector<16xf32>, vector<16xi32> -> vector<16xf32>
        %add3A_1015 = arith.addf %add3A_1004, %gather3A_1014 : vector<16xf32>
        %lt3A_1016 = arith.constant 0 : i32
        %lt3A_1017 = vector.broadcast %lt3A_1016 : i32 to vector<16xi32>
        %lt3A_1018 = arith.cmpi slt, %select_n3A_73, %lt3A_1017 : vector<16xi32>
        %add3A_1019 = arith.constant 16 : i32
        %add3A_1020 = vector.broadcast %add3A_1019 : i32 to vector<16xi32>
        %add3A_1021 = arith.addi %select_n3A_73, %add3A_1020 : vector<16xi32>
        %select_n3A_1022 = arith.select %lt3A_1018, %add3A_1021, %select_n3A_73 : vector<16xi1>, vector<16xi32>
        %broadcast_in_dim3A_1023 = vector.shape_cast %select_n3A_1022 : vector<16xi32> to vector<16x1xi32>
        %gather3A_1024 = vector.shape_cast %broadcast_in_dim3A_1023 : vector<16x1xi32> to vector<16xi32>
        %gather3A_1025 = tpu.dynamic_gather %add3A_1015[%gather3A_1024] in [0] : vector<16xf32>, vector<16xi32> -> vector<16xf32>
        %add3A_1026 = arith.addf %add3A_1015, %gather3A_1025 : vector<16xf32>
        %lt3A_1027 = arith.constant 0 : i32
        %lt3A_1028 = vector.broadcast %lt3A_1027 : i32 to vector<16xi32>
        %lt3A_1029 = arith.cmpi slt, %select_n3A_98, %lt3A_1028 : vector<16xi32>
        %add3A_1030 = arith.constant 16 : i32
        %add3A_1031 = vector.broadcast %add3A_1030 : i32 to vector<16xi32>
        %add3A_1032 = arith.addi %select_n3A_98, %add3A_1031 : vector<16xi32>
        %select_n3A_1033 = arith.select %lt3A_1029, %add3A_1032, %select_n3A_98 : vector<16xi1>, vector<16xi32>
        %broadcast_in_dim3A_1034 = vector.shape_cast %select_n3A_1033 : vector<16xi32> to vector<16x1xi32>
        %gather3A_1035 = vector.shape_cast %broadcast_in_dim3A_1034 : vector<16x1xi32> to vector<16xi32>
        %gather3A_1036 = tpu.dynamic_gather %add3A_1026[%gather3A_1035] in [0] : vector<16xf32>, vector<16xi32> -> vector<16xf32>
        %add3A_1037 = arith.addf %add3A_1026, %gather3A_1036 : vector<16xf32>
        %eq3A_1038 = arith.constant 9 : i32
        %eq3A_1039 = vector.broadcast %eq3A_1038 : i32 to vector<16xi32>
        %eq3A_1040 = arith.cmpi eq, %iota3A, %eq3A_1039 : vector<16xi32>
        %select_n3A_1041 = arith.select %eq3A_1040, %add3A_1037, %select_n3A_950 : vector<16xi1>, vector<16xf32>
        %mul3A_1042 = arith.constant 16 : i32
        %mul3A_1043 = arith.muli %scan3A_132, %mul3A_1042 : i32
        %add3A_1044 = arith.constant 10 : i32
        %add3A_1045 = arith.addi %mul3A_1043, %add3A_1044 : i32
        %get3A_1046 = arith.index_cast %add3A_1045 : i32 to index
        %get3A_1047 = arith.constant 0 : index
        %get3A_1048 = tpu.vector_load %arg11[%get3A_1046, %get3A_1047] {strides = array<i32>} : memref<256x128xf32, #tpu.memory_space<vmem>>, vector<1x16xf32>,
        %get3A_1049 = vector.shape_cast %get3A_1048 : vector<1x16xf32> to vector<16xf32>
        %get3A_1050 = arith.index_cast %add3A_1045 : i32 to index
        %get3A_1051 = arith.constant 0 : index
        %get3A_1052 = tpu.vector_load %arg12[%get3A_1050, %get3A_1051] {strides = array<i32>} : memref<256x128xf32, #tpu.memory_space<vmem>>, vector<1x16xf32>,
        %get3A_1053 = vector.shape_cast %get3A_1052 : vector<1x16xf32> to vector<16xf32>
        %mul3A_1054 = arith.mulf %get3A_1049, %get3A_1053 : vector<16xf32>
        %get3A_1055 = arith.index_cast %add3A_1045 : i32 to index
        %get3A_1056 = arith.constant 16 : index
        %get3A_1057 = tpu.vector_load %arg11[%get3A_1055, %get3A_1056] {strides = array<i32>} : memref<256x128xf32, #tpu.memory_space<vmem>>, vector<1x16xf32>,
        %get3A_1058 = vector.shape_cast %get3A_1057 : vector<1x16xf32> to vector<16xf32>
        %get3A_1059 = arith.index_cast %add3A_1045 : i32 to index
        %get3A_1060 = arith.constant 16 : index
        %get3A_1061 = tpu.vector_load %arg12[%get3A_1059, %get3A_1060] {strides = array<i32>} : memref<256x128xf32, #tpu.memory_space<vmem>>, vector<1x16xf32>,
        %get3A_1062 = vector.shape_cast %get3A_1061 : vector<1x16xf32> to vector<16xf32>
        %mul3A_1063 = arith.mulf %get3A_1058, %get3A_1062 : vector<16xf32>
        %add3A_1064 = arith.addf %mul3A_1054, %mul3A_1063 : vector<16xf32>
        %get3A_1065 = arith.index_cast %add3A_1045 : i32 to index
        %get3A_1066 = arith.constant 32 : index
        %get3A_1067 = tpu.vector_load %arg11[%get3A_1065, %get3A_1066] {strides = array<i32>} : memref<256x128xf32, #tpu.memory_space<vmem>>, vector<1x16xf32>,
        %get3A_1068 = vector.shape_cast %get3A_1067 : vector<1x16xf32> to vector<16xf32>
        %get3A_1069 = arith.index_cast %add3A_1045 : i32 to index
        %get3A_1070 = arith.constant 32 : index
        %get3A_1071 = tpu.vector_load %arg12[%get3A_1069, %get3A_1070] {strides = array<i32>} : memref<256x128xf32, #tpu.memory_space<vmem>>, vector<1x16xf32>,
        %get3A_1072 = vector.shape_cast %get3A_1071 : vector<1x16xf32> to vector<16xf32>
        %mul3A_1073 = arith.mulf %get3A_1068, %get3A_1072 : vector<16xf32>
        %add3A_1074 = arith.addf %add3A_1064, %mul3A_1073 : vector<16xf32>
        %get3A_1075 = arith.index_cast %add3A_1045 : i32 to index
        %get3A_1076 = arith.constant 48 : index
        %get3A_1077 = tpu.vector_load %arg11[%get3A_1075, %get3A_1076] {strides = array<i32>} : memref<256x128xf32, #tpu.memory_space<vmem>>, vector<1x16xf32>,
        %get3A_1078 = vector.shape_cast %get3A_1077 : vector<1x16xf32> to vector<16xf32>
        %get3A_1079 = arith.index_cast %add3A_1045 : i32 to index
        %get3A_1080 = arith.constant 48 : index
        %get3A_1081 = tpu.vector_load %arg12[%get3A_1079, %get3A_1080] {strides = array<i32>} : memref<256x128xf32, #tpu.memory_space<vmem>>, vector<1x16xf32>,
        %get3A_1082 = vector.shape_cast %get3A_1081 : vector<1x16xf32> to vector<16xf32>
        %mul3A_1083 = arith.mulf %get3A_1078, %get3A_1082 : vector<16xf32>
        %add3A_1084 = arith.addf %add3A_1074, %mul3A_1083 : vector<16xf32>
        %lt3A_1085 = arith.constant 0 : i32
        %lt3A_1086 = vector.broadcast %lt3A_1085 : i32 to vector<16xi32>
        %lt3A_1087 = arith.cmpi slt, %select_n3A_23, %lt3A_1086 : vector<16xi32>
        %add3A_1088 = arith.constant 16 : i32
        %add3A_1089 = vector.broadcast %add3A_1088 : i32 to vector<16xi32>
        %add3A_1090 = arith.addi %select_n3A_23, %add3A_1089 : vector<16xi32>
        %select_n3A_1091 = arith.select %lt3A_1087, %add3A_1090, %select_n3A_23 : vector<16xi1>, vector<16xi32>
        %broadcast_in_dim3A_1092 = vector.shape_cast %select_n3A_1091 : vector<16xi32> to vector<16x1xi32>
        %gather3A_1093 = vector.shape_cast %broadcast_in_dim3A_1092 : vector<16x1xi32> to vector<16xi32>
        %gather3A_1094 = tpu.dynamic_gather %add3A_1084[%gather3A_1093] in [0] : vector<16xf32>, vector<16xi32> -> vector<16xf32>
        %add3A_1095 = arith.addf %add3A_1084, %gather3A_1094 : vector<16xf32>
        %lt3A_1096 = arith.constant 0 : i32
        %lt3A_1097 = vector.broadcast %lt3A_1096 : i32 to vector<16xi32>
        %lt3A_1098 = arith.cmpi slt, %select_n3A_48, %lt3A_1097 : vector<16xi32>
        %add3A_1099 = arith.constant 16 : i32
        %add3A_1100 = vector.broadcast %add3A_1099 : i32 to vector<16xi32>
        %add3A_1101 = arith.addi %select_n3A_48, %add3A_1100 : vector<16xi32>
        %select_n3A_1102 = arith.select %lt3A_1098, %add3A_1101, %select_n3A_48 : vector<16xi1>, vector<16xi32>
        %broadcast_in_dim3A_1103 = vector.shape_cast %select_n3A_1102 : vector<16xi32> to vector<16x1xi32>
        %gather3A_1104 = vector.shape_cast %broadcast_in_dim3A_1103 : vector<16x1xi32> to vector<16xi32>
        %gather3A_1105 = tpu.dynamic_gather %add3A_1095[%gather3A_1104] in [0] : vector<16xf32>, vector<16xi32> -> vector<16xf32>
        %add3A_1106 = arith.addf %add3A_1095, %gather3A_1105 : vector<16xf32>
        %lt3A_1107 = arith.constant 0 : i32
        %lt3A_1108 = vector.broadcast %lt3A_1107 : i32 to vector<16xi32>
        %lt3A_1109 = arith.cmpi slt, %select_n3A_73, %lt3A_1108 : vector<16xi32>
        %add3A_1110 = arith.constant 16 : i32
        %add3A_1111 = vector.broadcast %add3A_1110 : i32 to vector<16xi32>
        %add3A_1112 = arith.addi %select_n3A_73, %add3A_1111 : vector<16xi32>
        %select_n3A_1113 = arith.select %lt3A_1109, %add3A_1112, %select_n3A_73 : vector<16xi1>, vector<16xi32>
        %broadcast_in_dim3A_1114 = vector.shape_cast %select_n3A_1113 : vector<16xi32> to vector<16x1xi32>
        %gather3A_1115 = vector.shape_cast %broadcast_in_dim3A_1114 : vector<16x1xi32> to vector<16xi32>
        %gather3A_1116 = tpu.dynamic_gather %add3A_1106[%gather3A_1115] in [0] : vector<16xf32>, vector<16xi32> -> vector<16xf32>
        %add3A_1117 = arith.addf %add3A_1106, %gather3A_1116 : vector<16xf32>
        %lt3A_1118 = arith.constant 0 : i32
        %lt3A_1119 = vector.broadcast %lt3A_1118 : i32 to vector<16xi32>
        %lt3A_1120 = arith.cmpi slt, %select_n3A_98, %lt3A_1119 : vector<16xi32>
        %add3A_1121 = arith.constant 16 : i32
        %add3A_1122 = vector.broadcast %add3A_1121 : i32 to vector<16xi32>
        %add3A_1123 = arith.addi %select_n3A_98, %add3A_1122 : vector<16xi32>
        %select_n3A_1124 = arith.select %lt3A_1120, %add3A_1123, %select_n3A_98 : vector<16xi1>, vector<16xi32>
        %broadcast_in_dim3A_1125 = vector.shape_cast %select_n3A_1124 : vector<16xi32> to vector<16x1xi32>
        %gather3A_1126 = vector.shape_cast %broadcast_in_dim3A_1125 : vector<16x1xi32> to vector<16xi32>
        %gather3A_1127 = tpu.dynamic_gather %add3A_1117[%gather3A_1126] in [0] : vector<16xf32>, vector<16xi32> -> vector<16xf32>
        %add3A_1128 = arith.addf %add3A_1117, %gather3A_1127 : vector<16xf32>
        %eq3A_1129 = arith.constant 10 : i32
        %eq3A_1130 = vector.broadcast %eq3A_1129 : i32 to vector<16xi32>
        %eq3A_1131 = arith.cmpi eq, %iota3A, %eq3A_1130 : vector<16xi32>
        %select_n3A_1132 = arith.select %eq3A_1131, %add3A_1128, %select_n3A_1041 : vector<16xi1>, vector<16xf32>
        %mul3A_1133 = arith.constant 16 : i32
        %mul3A_1134 = arith.muli %scan3A_132, %mul3A_1133 : i32
        %add3A_1135 = arith.constant 11 : i32
        %add3A_1136 = arith.addi %mul3A_1134, %add3A_1135 : i32
        %get3A_1137 = arith.index_cast %add3A_1136 : i32 to index
        %get3A_1138 = arith.constant 0 : index
        %get3A_1139 = tpu.vector_load %arg11[%get3A_1137, %get3A_1138] {strides = array<i32>} : memref<256x128xf32, #tpu.memory_space<vmem>>, vector<1x16xf32>,
        %get3A_1140 = vector.shape_cast %get3A_1139 : vector<1x16xf32> to vector<16xf32>
        %get3A_1141 = arith.index_cast %add3A_1136 : i32 to index
        %get3A_1142 = arith.constant 0 : index
        %get3A_1143 = tpu.vector_load %arg12[%get3A_1141, %get3A_1142] {strides = array<i32>} : memref<256x128xf32, #tpu.memory_space<vmem>>, vector<1x16xf32>,
        %get3A_1144 = vector.shape_cast %get3A_1143 : vector<1x16xf32> to vector<16xf32>
        %mul3A_1145 = arith.mulf %get3A_1140, %get3A_1144 : vector<16xf32>
        %get3A_1146 = arith.index_cast %add3A_1136 : i32 to index
        %get3A_1147 = arith.constant 16 : index
        %get3A_1148 = tpu.vector_load %arg11[%get3A_1146, %get3A_1147] {strides = array<i32>} : memref<256x128xf32, #tpu.memory_space<vmem>>, vector<1x16xf32>,
        %get3A_1149 = vector.shape_cast %get3A_1148 : vector<1x16xf32> to vector<16xf32>
        %get3A_1150 = arith.index_cast %add3A_1136 : i32 to index
        %get3A_1151 = arith.constant 16 : index
        %get3A_1152 = tpu.vector_load %arg12[%get3A_1150, %get3A_1151] {strides = array<i32>} : memref<256x128xf32, #tpu.memory_space<vmem>>, vector<1x16xf32>,
        %get3A_1153 = vector.shape_cast %get3A_1152 : vector<1x16xf32> to vector<16xf32>
        %mul3A_1154 = arith.mulf %get3A_1149, %get3A_1153 : vector<16xf32>
        %add3A_1155 = arith.addf %mul3A_1145, %mul3A_1154 : vector<16xf32>
        %get3A_1156 = arith.index_cast %add3A_1136 : i32 to index
        %get3A_1157 = arith.constant 32 : index
        %get3A_1158 = tpu.vector_load %arg11[%get3A_1156, %get3A_1157] {strides = array<i32>} : memref<256x128xf32, #tpu.memory_space<vmem>>, vector<1x16xf32>,
        %get3A_1159 = vector.shape_cast %get3A_1158 : vector<1x16xf32> to vector<16xf32>
        %get3A_1160 = arith.index_cast %add3A_1136 : i32 to index
        %get3A_1161 = arith.constant 32 : index
        %get3A_1162 = tpu.vector_load %arg12[%get3A_1160, %get3A_1161] {strides = array<i32>} : memref<256x128xf32, #tpu.memory_space<vmem>>, vector<1x16xf32>,
        %get3A_1163 = vector.shape_cast %get3A_1162 : vector<1x16xf32> to vector<16xf32>
        %mul3A_1164 = arith.mulf %get3A_1159, %get3A_1163 : vector<16xf32>
        %add3A_1165 = arith.addf %add3A_1155, %mul3A_1164 : vector<16xf32>
        %get3A_1166 = arith.index_cast %add3A_1136 : i32 to index
        %get3A_1167 = arith.constant 48 : index
        %get3A_1168 = tpu.vector_load %arg11[%get3A_1166, %get3A_1167] {strides = array<i32>} : memref<256x128xf32, #tpu.memory_space<vmem>>, vector<1x16xf32>,
        %get3A_1169 = vector.shape_cast %get3A_1168 : vector<1x16xf32> to vector<16xf32>
        %get3A_1170 = arith.index_cast %add3A_1136 : i32 to index
        %get3A_1171 = arith.constant 48 : index
        %get3A_1172 = tpu.vector_load %arg12[%get3A_1170, %get3A_1171] {strides = array<i32>} : memref<256x128xf32, #tpu.memory_space<vmem>>, vector<1x16xf32>,
        %get3A_1173 = vector.shape_cast %get3A_1172 : vector<1x16xf32> to vector<16xf32>
        %mul3A_1174 = arith.mulf %get3A_1169, %get3A_1173 : vector<16xf32>
        %add3A_1175 = arith.addf %add3A_1165, %mul3A_1174 : vector<16xf32>
        %lt3A_1176 = arith.constant 0 : i32
        %lt3A_1177 = vector.broadcast %lt3A_1176 : i32 to vector<16xi32>
        %lt3A_1178 = arith.cmpi slt, %select_n3A_23, %lt3A_1177 : vector<16xi32>
        %add3A_1179 = arith.constant 16 : i32
        %add3A_1180 = vector.broadcast %add3A_1179 : i32 to vector<16xi32>
        %add3A_1181 = arith.addi %select_n3A_23, %add3A_1180 : vector<16xi32>
        %select_n3A_1182 = arith.select %lt3A_1178, %add3A_1181, %select_n3A_23 : vector<16xi1>, vector<16xi32>
        %broadcast_in_dim3A_1183 = vector.shape_cast %select_n3A_1182 : vector<16xi32> to vector<16x1xi32>
        %gather3A_1184 = vector.shape_cast %broadcast_in_dim3A_1183 : vector<16x1xi32> to vector<16xi32>
        %gather3A_1185 = tpu.dynamic_gather %add3A_1175[%gather3A_1184] in [0] : vector<16xf32>, vector<16xi32> -> vector<16xf32>
        %add3A_1186 = arith.addf %add3A_1175, %gather3A_1185 : vector<16xf32>
        %lt3A_1187 = arith.constant 0 : i32
        %lt3A_1188 = vector.broadcast %lt3A_1187 : i32 to vector<16xi32>
        %lt3A_1189 = arith.cmpi slt, %select_n3A_48, %lt3A_1188 : vector<16xi32>
        %add3A_1190 = arith.constant 16 : i32
        %add3A_1191 = vector.broadcast %add3A_1190 : i32 to vector<16xi32>
        %add3A_1192 = arith.addi %select_n3A_48, %add3A_1191 : vector<16xi32>
        %select_n3A_1193 = arith.select %lt3A_1189, %add3A_1192, %select_n3A_48 : vector<16xi1>, vector<16xi32>
        %broadcast_in_dim3A_1194 = vector.shape_cast %select_n3A_1193 : vector<16xi32> to vector<16x1xi32>
        %gather3A_1195 = vector.shape_cast %broadcast_in_dim3A_1194 : vector<16x1xi32> to vector<16xi32>
        %gather3A_1196 = tpu.dynamic_gather %add3A_1186[%gather3A_1195] in [0] : vector<16xf32>, vector<16xi32> -> vector<16xf32>
        %add3A_1197 = arith.addf %add3A_1186, %gather3A_1196 : vector<16xf32>
        %lt3A_1198 = arith.constant 0 : i32
        %lt3A_1199 = vector.broadcast %lt3A_1198 : i32 to vector<16xi32>
        %lt3A_1200 = arith.cmpi slt, %select_n3A_73, %lt3A_1199 : vector<16xi32>
        %add3A_1201 = arith.constant 16 : i32
        %add3A_1202 = vector.broadcast %add3A_1201 : i32 to vector<16xi32>
        %add3A_1203 = arith.addi %select_n3A_73, %add3A_1202 : vector<16xi32>
        %select_n3A_1204 = arith.select %lt3A_1200, %add3A_1203, %select_n3A_73 : vector<16xi1>, vector<16xi32>
        %broadcast_in_dim3A_1205 = vector.shape_cast %select_n3A_1204 : vector<16xi32> to vector<16x1xi32>
        %gather3A_1206 = vector.shape_cast %broadcast_in_dim3A_1205 : vector<16x1xi32> to vector<16xi32>
        %gather3A_1207 = tpu.dynamic_gather %add3A_1197[%gather3A_1206] in [0] : vector<16xf32>, vector<16xi32> -> vector<16xf32>
        %add3A_1208 = arith.addf %add3A_1197, %gather3A_1207 : vector<16xf32>
        %lt3A_1209 = arith.constant 0 : i32
        %lt3A_1210 = vector.broadcast %lt3A_1209 : i32 to vector<16xi32>
        %lt3A_1211 = arith.cmpi slt, %select_n3A_98, %lt3A_1210 : vector<16xi32>
        %add3A_1212 = arith.constant 16 : i32
        %add3A_1213 = vector.broadcast %add3A_1212 : i32 to vector<16xi32>
        %add3A_1214 = arith.addi %select_n3A_98, %add3A_1213 : vector<16xi32>
        %select_n3A_1215 = arith.select %lt3A_1211, %add3A_1214, %select_n3A_98 : vector<16xi1>, vector<16xi32>
        %broadcast_in_dim3A_1216 = vector.shape_cast %select_n3A_1215 : vector<16xi32> to vector<16x1xi32>
        %gather3A_1217 = vector.shape_cast %broadcast_in_dim3A_1216 : vector<16x1xi32> to vector<16xi32>
        %gather3A_1218 = tpu.dynamic_gather %add3A_1208[%gather3A_1217] in [0] : vector<16xf32>, vector<16xi32> -> vector<16xf32>
        %add3A_1219 = arith.addf %add3A_1208, %gather3A_1218 : vector<16xf32>
        %eq3A_1220 = arith.constant 11 : i32
        %eq3A_1221 = vector.broadcast %eq3A_1220 : i32 to vector<16xi32>
        %eq3A_1222 = arith.cmpi eq, %iota3A, %eq3A_1221 : vector<16xi32>
        %select_n3A_1223 = arith.select %eq3A_1222, %add3A_1219, %select_n3A_1132 : vector<16xi1>, vector<16xf32>
        %mul3A_1224 = arith.constant 16 : i32
        %mul3A_1225 = arith.muli %scan3A_132, %mul3A_1224 : i32
        %add3A_1226 = arith.constant 12 : i32
        %add3A_1227 = arith.addi %mul3A_1225, %add3A_1226 : i32
        %get3A_1228 = arith.index_cast %add3A_1227 : i32 to index
        %get3A_1229 = arith.constant 0 : index
        %get3A_1230 = tpu.vector_load %arg11[%get3A_1228, %get3A_1229] {strides = array<i32>} : memref<256x128xf32, #tpu.memory_space<vmem>>, vector<1x16xf32>,
        %get3A_1231 = vector.shape_cast %get3A_1230 : vector<1x16xf32> to vector<16xf32>
        %get3A_1232 = arith.index_cast %add3A_1227 : i32 to index
        %get3A_1233 = arith.constant 0 : index
        %get3A_1234 = tpu.vector_load %arg12[%get3A_1232, %get3A_1233] {strides = array<i32>} : memref<256x128xf32, #tpu.memory_space<vmem>>, vector<1x16xf32>,
        %get3A_1235 = vector.shape_cast %get3A_1234 : vector<1x16xf32> to vector<16xf32>
        %mul3A_1236 = arith.mulf %get3A_1231, %get3A_1235 : vector<16xf32>
        %get3A_1237 = arith.index_cast %add3A_1227 : i32 to index
        %get3A_1238 = arith.constant 16 : index
        %get3A_1239 = tpu.vector_load %arg11[%get3A_1237, %get3A_1238] {strides = array<i32>} : memref<256x128xf32, #tpu.memory_space<vmem>>, vector<1x16xf32>,
        %get3A_1240 = vector.shape_cast %get3A_1239 : vector<1x16xf32> to vector<16xf32>
        %get3A_1241 = arith.index_cast %add3A_1227 : i32 to index
        %get3A_1242 = arith.constant 16 : index
        %get3A_1243 = tpu.vector_load %arg12[%get3A_1241, %get3A_1242] {strides = array<i32>} : memref<256x128xf32, #tpu.memory_space<vmem>>, vector<1x16xf32>,
        %get3A_1244 = vector.shape_cast %get3A_1243 : vector<1x16xf32> to vector<16xf32>
        %mul3A_1245 = arith.mulf %get3A_1240, %get3A_1244 : vector<16xf32>
        %add3A_1246 = arith.addf %mul3A_1236, %mul3A_1245 : vector<16xf32>
        %get3A_1247 = arith.index_cast %add3A_1227 : i32 to index
        %get3A_1248 = arith.constant 32 : index
        %get3A_1249 = tpu.vector_load %arg11[%get3A_1247, %get3A_1248] {strides = array<i32>} : memref<256x128xf32, #tpu.memory_space<vmem>>, vector<1x16xf32>,
        %get3A_1250 = vector.shape_cast %get3A_1249 : vector<1x16xf32> to vector<16xf32>
        %get3A_1251 = arith.index_cast %add3A_1227 : i32 to index
        %get3A_1252 = arith.constant 32 : index
        %get3A_1253 = tpu.vector_load %arg12[%get3A_1251, %get3A_1252] {strides = array<i32>} : memref<256x128xf32, #tpu.memory_space<vmem>>, vector<1x16xf32>,
        %get3A_1254 = vector.shape_cast %get3A_1253 : vector<1x16xf32> to vector<16xf32>
        %mul3A_1255 = arith.mulf %get3A_1250, %get3A_1254 : vector<16xf32>
        %add3A_1256 = arith.addf %add3A_1246, %mul3A_1255 : vector<16xf32>
        %get3A_1257 = arith.index_cast %add3A_1227 : i32 to index
        %get3A_1258 = arith.constant 48 : index
        %get3A_1259 = tpu.vector_load %arg11[%get3A_1257, %get3A_1258] {strides = array<i32>} : memref<256x128xf32, #tpu.memory_space<vmem>>, vector<1x16xf32>,
        %get3A_1260 = vector.shape_cast %get3A_1259 : vector<1x16xf32> to vector<16xf32>
        %get3A_1261 = arith.index_cast %add3A_1227 : i32 to index
        %get3A_1262 = arith.constant 48 : index
        %get3A_1263 = tpu.vector_load %arg12[%get3A_1261, %get3A_1262] {strides = array<i32>} : memref<256x128xf32, #tpu.memory_space<vmem>>, vector<1x16xf32>,
        %get3A_1264 = vector.shape_cast %get3A_1263 : vector<1x16xf32> to vector<16xf32>
        %mul3A_1265 = arith.mulf %get3A_1260, %get3A_1264 : vector<16xf32>
        %add3A_1266 = arith.addf %add3A_1256, %mul3A_1265 : vector<16xf32>
        %lt3A_1267 = arith.constant 0 : i32
        %lt3A_1268 = vector.broadcast %lt3A_1267 : i32 to vector<16xi32>
        %lt3A_1269 = arith.cmpi slt, %select_n3A_23, %lt3A_1268 : vector<16xi32>
        %add3A_1270 = arith.constant 16 : i32
        %add3A_1271 = vector.broadcast %add3A_1270 : i32 to vector<16xi32>
        %add3A_1272 = arith.addi %select_n3A_23, %add3A_1271 : vector<16xi32>
        %select_n3A_1273 = arith.select %lt3A_1269, %add3A_1272, %select_n3A_23 : vector<16xi1>, vector<16xi32>
        %broadcast_in_dim3A_1274 = vector.shape_cast %select_n3A_1273 : vector<16xi32> to vector<16x1xi32>
        %gather3A_1275 = vector.shape_cast %broadcast_in_dim3A_1274 : vector<16x1xi32> to vector<16xi32>
        %gather3A_1276 = tpu.dynamic_gather %add3A_1266[%gather3A_1275] in [0] : vector<16xf32>, vector<16xi32> -> vector<16xf32>
        %add3A_1277 = arith.addf %add3A_1266, %gather3A_1276 : vector<16xf32>
        %lt3A_1278 = arith.constant 0 : i32
        %lt3A_1279 = vector.broadcast %lt3A_1278 : i32 to vector<16xi32>
        %lt3A_1280 = arith.cmpi slt, %select_n3A_48, %lt3A_1279 : vector<16xi32>
        %add3A_1281 = arith.constant 16 : i32
        %add3A_1282 = vector.broadcast %add3A_1281 : i32 to vector<16xi32>
        %add3A_1283 = arith.addi %select_n3A_48, %add3A_1282 : vector<16xi32>
        %select_n3A_1284 = arith.select %lt3A_1280, %add3A_1283, %select_n3A_48 : vector<16xi1>, vector<16xi32>
        %broadcast_in_dim3A_1285 = vector.shape_cast %select_n3A_1284 : vector<16xi32> to vector<16x1xi32>
        %gather3A_1286 = vector.shape_cast %broadcast_in_dim3A_1285 : vector<16x1xi32> to vector<16xi32>
        %gather3A_1287 = tpu.dynamic_gather %add3A_1277[%gather3A_1286] in [0] : vector<16xf32>, vector<16xi32> -> vector<16xf32>
        %add3A_1288 = arith.addf %add3A_1277, %gather3A_1287 : vector<16xf32>
        %lt3A_1289 = arith.constant 0 : i32
        %lt3A_1290 = vector.broadcast %lt3A_1289 : i32 to vector<16xi32>
        %lt3A_1291 = arith.cmpi slt, %select_n3A_73, %lt3A_1290 : vector<16xi32>
        %add3A_1292 = arith.constant 16 : i32
        %add3A_1293 = vector.broadcast %add3A_1292 : i32 to vector<16xi32>
        %add3A_1294 = arith.addi %select_n3A_73, %add3A_1293 : vector<16xi32>
        %select_n3A_1295 = arith.select %lt3A_1291, %add3A_1294, %select_n3A_73 : vector<16xi1>, vector<16xi32>
        %broadcast_in_dim3A_1296 = vector.shape_cast %select_n3A_1295 : vector<16xi32> to vector<16x1xi32>
        %gather3A_1297 = vector.shape_cast %broadcast_in_dim3A_1296 : vector<16x1xi32> to vector<16xi32>
        %gather3A_1298 = tpu.dynamic_gather %add3A_1288[%gather3A_1297] in [0] : vector<16xf32>, vector<16xi32> -> vector<16xf32>
        %add3A_1299 = arith.addf %add3A_1288, %gather3A_1298 : vector<16xf32>
        %lt3A_1300 = arith.constant 0 : i32
        %lt3A_1301 = vector.broadcast %lt3A_1300 : i32 to vector<16xi32>
        %lt3A_1302 = arith.cmpi slt, %select_n3A_98, %lt3A_1301 : vector<16xi32>
        %add3A_1303 = arith.constant 16 : i32
        %add3A_1304 = vector.broadcast %add3A_1303 : i32 to vector<16xi32>
        %add3A_1305 = arith.addi %select_n3A_98, %add3A_1304 : vector<16xi32>
        %select_n3A_1306 = arith.select %lt3A_1302, %add3A_1305, %select_n3A_98 : vector<16xi1>, vector<16xi32>
        %broadcast_in_dim3A_1307 = vector.shape_cast %select_n3A_1306 : vector<16xi32> to vector<16x1xi32>
        %gather3A_1308 = vector.shape_cast %broadcast_in_dim3A_1307 : vector<16x1xi32> to vector<16xi32>
        %gather3A_1309 = tpu.dynamic_gather %add3A_1299[%gather3A_1308] in [0] : vector<16xf32>, vector<16xi32> -> vector<16xf32>
        %add3A_1310 = arith.addf %add3A_1299, %gather3A_1309 : vector<16xf32>
        %eq3A_1311 = arith.constant 12 : i32
        %eq3A_1312 = vector.broadcast %eq3A_1311 : i32 to vector<16xi32>
        %eq3A_1313 = arith.cmpi eq, %iota3A, %eq3A_1312 : vector<16xi32>
        %select_n3A_1314 = arith.select %eq3A_1313, %add3A_1310, %select_n3A_1223 : vector<16xi1>, vector<16xf32>
        %mul3A_1315 = arith.constant 16 : i32
        %mul3A_1316 = arith.muli %scan3A_132, %mul3A_1315 : i32
        %add3A_1317 = arith.constant 13 : i32
        %add3A_1318 = arith.addi %mul3A_1316, %add3A_1317 : i32
        %get3A_1319 = arith.index_cast %add3A_1318 : i32 to index
        %get3A_1320 = arith.constant 0 : index
        %get3A_1321 = tpu.vector_load %arg11[%get3A_1319, %get3A_1320] {strides = array<i32>} : memref<256x128xf32, #tpu.memory_space<vmem>>, vector<1x16xf32>,
        %get3A_1322 = vector.shape_cast %get3A_1321 : vector<1x16xf32> to vector<16xf32>
        %get3A_1323 = arith.index_cast %add3A_1318 : i32 to index
        %get3A_1324 = arith.constant 0 : index
        %get3A_1325 = tpu.vector_load %arg12[%get3A_1323, %get3A_1324] {strides = array<i32>} : memref<256x128xf32, #tpu.memory_space<vmem>>, vector<1x16xf32>,
        %get3A_1326 = vector.shape_cast %get3A_1325 : vector<1x16xf32> to vector<16xf32>
        %mul3A_1327 = arith.mulf %get3A_1322, %get3A_1326 : vector<16xf32>
        %get3A_1328 = arith.index_cast %add3A_1318 : i32 to index
        %get3A_1329 = arith.constant 16 : index
        %get3A_1330 = tpu.vector_load %arg11[%get3A_1328, %get3A_1329] {strides = array<i32>} : memref<256x128xf32, #tpu.memory_space<vmem>>, vector<1x16xf32>,
        %get3A_1331 = vector.shape_cast %get3A_1330 : vector<1x16xf32> to vector<16xf32>
        %get3A_1332 = arith.index_cast %add3A_1318 : i32 to index
        %get3A_1333 = arith.constant 16 : index
        %get3A_1334 = tpu.vector_load %arg12[%get3A_1332, %get3A_1333] {strides = array<i32>} : memref<256x128xf32, #tpu.memory_space<vmem>>, vector<1x16xf32>,
        %get3A_1335 = vector.shape_cast %get3A_1334 : vector<1x16xf32> to vector<16xf32>
        %mul3A_1336 = arith.mulf %get3A_1331, %get3A_1335 : vector<16xf32>
        %add3A_1337 = arith.addf %mul3A_1327, %mul3A_1336 : vector<16xf32>
        %get3A_1338 = arith.index_cast %add3A_1318 : i32 to index
        %get3A_1339 = arith.constant 32 : index
        %get3A_1340 = tpu.vector_load %arg11[%get3A_1338, %get3A_1339] {strides = array<i32>} : memref<256x128xf32, #tpu.memory_space<vmem>>, vector<1x16xf32>,
        %get3A_1341 = vector.shape_cast %get3A_1340 : vector<1x16xf32> to vector<16xf32>
        %get3A_1342 = arith.index_cast %add3A_1318 : i32 to index
        %get3A_1343 = arith.constant 32 : index
        %get3A_1344 = tpu.vector_load %arg12[%get3A_1342, %get3A_1343] {strides = array<i32>} : memref<256x128xf32, #tpu.memory_space<vmem>>, vector<1x16xf32>,
        %get3A_1345 = vector.shape_cast %get3A_1344 : vector<1x16xf32> to vector<16xf32>
        %mul3A_1346 = arith.mulf %get3A_1341, %get3A_1345 : vector<16xf32>
        %add3A_1347 = arith.addf %add3A_1337, %mul3A_1346 : vector<16xf32>
        %get3A_1348 = arith.index_cast %add3A_1318 : i32 to index
        %get3A_1349 = arith.constant 48 : index
        %get3A_1350 = tpu.vector_load %arg11[%get3A_1348, %get3A_1349] {strides = array<i32>} : memref<256x128xf32, #tpu.memory_space<vmem>>, vector<1x16xf32>,
        %get3A_1351 = vector.shape_cast %get3A_1350 : vector<1x16xf32> to vector<16xf32>
        %get3A_1352 = arith.index_cast %add3A_1318 : i32 to index
        %get3A_1353 = arith.constant 48 : index
        %get3A_1354 = tpu.vector_load %arg12[%get3A_1352, %get3A_1353] {strides = array<i32>} : memref<256x128xf32, #tpu.memory_space<vmem>>, vector<1x16xf32>,
        %get3A_1355 = vector.shape_cast %get3A_1354 : vector<1x16xf32> to vector<16xf32>
        %mul3A_1356 = arith.mulf %get3A_1351, %get3A_1355 : vector<16xf32>
        %add3A_1357 = arith.addf %add3A_1347, %mul3A_1356 : vector<16xf32>
        %lt3A_1358 = arith.constant 0 : i32
        %lt3A_1359 = vector.broadcast %lt3A_1358 : i32 to vector<16xi32>
        %lt3A_1360 = arith.cmpi slt, %select_n3A_23, %lt3A_1359 : vector<16xi32>
        %add3A_1361 = arith.constant 16 : i32
        %add3A_1362 = vector.broadcast %add3A_1361 : i32 to vector<16xi32>
        %add3A_1363 = arith.addi %select_n3A_23, %add3A_1362 : vector<16xi32>
        %select_n3A_1364 = arith.select %lt3A_1360, %add3A_1363, %select_n3A_23 : vector<16xi1>, vector<16xi32>
        %broadcast_in_dim3A_1365 = vector.shape_cast %select_n3A_1364 : vector<16xi32> to vector<16x1xi32>
        %gather3A_1366 = vector.shape_cast %broadcast_in_dim3A_1365 : vector<16x1xi32> to vector<16xi32>
        %gather3A_1367 = tpu.dynamic_gather %add3A_1357[%gather3A_1366] in [0] : vector<16xf32>, vector<16xi32> -> vector<16xf32>
        %add3A_1368 = arith.addf %add3A_1357, %gather3A_1367 : vector<16xf32>
        %lt3A_1369 = arith.constant 0 : i32
        %lt3A_1370 = vector.broadcast %lt3A_1369 : i32 to vector<16xi32>
        %lt3A_1371 = arith.cmpi slt, %select_n3A_48, %lt3A_1370 : vector<16xi32>
        %add3A_1372 = arith.constant 16 : i32
        %add3A_1373 = vector.broadcast %add3A_1372 : i32 to vector<16xi32>
        %add3A_1374 = arith.addi %select_n3A_48, %add3A_1373 : vector<16xi32>
        %select_n3A_1375 = arith.select %lt3A_1371, %add3A_1374, %select_n3A_48 : vector<16xi1>, vector<16xi32>
        %broadcast_in_dim3A_1376 = vector.shape_cast %select_n3A_1375 : vector<16xi32> to vector<16x1xi32>
        %gather3A_1377 = vector.shape_cast %broadcast_in_dim3A_1376 : vector<16x1xi32> to vector<16xi32>
        %gather3A_1378 = tpu.dynamic_gather %add3A_1368[%gather3A_1377] in [0] : vector<16xf32>, vector<16xi32> -> vector<16xf32>
        %add3A_1379 = arith.addf %add3A_1368, %gather3A_1378 : vector<16xf32>
        %lt3A_1380 = arith.constant 0 : i32
        %lt3A_1381 = vector.broadcast %lt3A_1380 : i32 to vector<16xi32>
        %lt3A_1382 = arith.cmpi slt, %select_n3A_73, %lt3A_1381 : vector<16xi32>
        %add3A_1383 = arith.constant 16 : i32
        %add3A_1384 = vector.broadcast %add3A_1383 : i32 to vector<16xi32>
        %add3A_1385 = arith.addi %select_n3A_73, %add3A_1384 : vector<16xi32>
        %select_n3A_1386 = arith.select %lt3A_1382, %add3A_1385, %select_n3A_73 : vector<16xi1>, vector<16xi32>
        %broadcast_in_dim3A_1387 = vector.shape_cast %select_n3A_1386 : vector<16xi32> to vector<16x1xi32>
        %gather3A_1388 = vector.shape_cast %broadcast_in_dim3A_1387 : vector<16x1xi32> to vector<16xi32>
        %gather3A_1389 = tpu.dynamic_gather %add3A_1379[%gather3A_1388] in [0] : vector<16xf32>, vector<16xi32> -> vector<16xf32>
        %add3A_1390 = arith.addf %add3A_1379, %gather3A_1389 : vector<16xf32>
        %lt3A_1391 = arith.constant 0 : i32
        %lt3A_1392 = vector.broadcast %lt3A_1391 : i32 to vector<16xi32>
        %lt3A_1393 = arith.cmpi slt, %select_n3A_98, %lt3A_1392 : vector<16xi32>
        %add3A_1394 = arith.constant 16 : i32
        %add3A_1395 = vector.broadcast %add3A_1394 : i32 to vector<16xi32>
        %add3A_1396 = arith.addi %select_n3A_98, %add3A_1395 : vector<16xi32>
        %select_n3A_1397 = arith.select %lt3A_1393, %add3A_1396, %select_n3A_98 : vector<16xi1>, vector<16xi32>
        %broadcast_in_dim3A_1398 = vector.shape_cast %select_n3A_1397 : vector<16xi32> to vector<16x1xi32>
        %gather3A_1399 = vector.shape_cast %broadcast_in_dim3A_1398 : vector<16x1xi32> to vector<16xi32>
        %gather3A_1400 = tpu.dynamic_gather %add3A_1390[%gather3A_1399] in [0] : vector<16xf32>, vector<16xi32> -> vector<16xf32>
        %add3A_1401 = arith.addf %add3A_1390, %gather3A_1400 : vector<16xf32>
        %eq3A_1402 = arith.constant 13 : i32
        %eq3A_1403 = vector.broadcast %eq3A_1402 : i32 to vector<16xi32>
        %eq3A_1404 = arith.cmpi eq, %iota3A, %eq3A_1403 : vector<16xi32>
        %select_n3A_1405 = arith.select %eq3A_1404, %add3A_1401, %select_n3A_1314 : vector<16xi1>, vector<16xf32>
        %mul3A_1406 = arith.constant 16 : i32
        %mul3A_1407 = arith.muli %scan3A_132, %mul3A_1406 : i32
        %add3A_1408 = arith.constant 14 : i32
        %add3A_1409 = arith.addi %mul3A_1407, %add3A_1408 : i32
        %get3A_1410 = arith.index_cast %add3A_1409 : i32 to index
        %get3A_1411 = arith.constant 0 : index
        %get3A_1412 = tpu.vector_load %arg11[%get3A_1410, %get3A_1411] {strides = array<i32>} : memref<256x128xf32, #tpu.memory_space<vmem>>, vector<1x16xf32>,
        %get3A_1413 = vector.shape_cast %get3A_1412 : vector<1x16xf32> to vector<16xf32>
        %get3A_1414 = arith.index_cast %add3A_1409 : i32 to index
        %get3A_1415 = arith.constant 0 : index
        %get3A_1416 = tpu.vector_load %arg12[%get3A_1414, %get3A_1415] {strides = array<i32>} : memref<256x128xf32, #tpu.memory_space<vmem>>, vector<1x16xf32>,
        %get3A_1417 = vector.shape_cast %get3A_1416 : vector<1x16xf32> to vector<16xf32>
        %mul3A_1418 = arith.mulf %get3A_1413, %get3A_1417 : vector<16xf32>
        %get3A_1419 = arith.index_cast %add3A_1409 : i32 to index
        %get3A_1420 = arith.constant 16 : index
        %get3A_1421 = tpu.vector_load %arg11[%get3A_1419, %get3A_1420] {strides = array<i32>} : memref<256x128xf32, #tpu.memory_space<vmem>>, vector<1x16xf32>,
        %get3A_1422 = vector.shape_cast %get3A_1421 : vector<1x16xf32> to vector<16xf32>
        %get3A_1423 = arith.index_cast %add3A_1409 : i32 to index
        %get3A_1424 = arith.constant 16 : index
        %get3A_1425 = tpu.vector_load %arg12[%get3A_1423, %get3A_1424] {strides = array<i32>} : memref<256x128xf32, #tpu.memory_space<vmem>>, vector<1x16xf32>,
        %get3A_1426 = vector.shape_cast %get3A_1425 : vector<1x16xf32> to vector<16xf32>
        %mul3A_1427 = arith.mulf %get3A_1422, %get3A_1426 : vector<16xf32>
        %add3A_1428 = arith.addf %mul3A_1418, %mul3A_1427 : vector<16xf32>
        %get3A_1429 = arith.index_cast %add3A_1409 : i32 to index
        %get3A_1430 = arith.constant 32 : index
        %get3A_1431 = tpu.vector_load %arg11[%get3A_1429, %get3A_1430] {strides = array<i32>} : memref<256x128xf32, #tpu.memory_space<vmem>>, vector<1x16xf32>,
        %get3A_1432 = vector.shape_cast %get3A_1431 : vector<1x16xf32> to vector<16xf32>
        %get3A_1433 = arith.index_cast %add3A_1409 : i32 to index
        %get3A_1434 = arith.constant 32 : index
        %get3A_1435 = tpu.vector_load %arg12[%get3A_1433, %get3A_1434] {strides = array<i32>} : memref<256x128xf32, #tpu.memory_space<vmem>>, vector<1x16xf32>,
        %get3A_1436 = vector.shape_cast %get3A_1435 : vector<1x16xf32> to vector<16xf32>
        %mul3A_1437 = arith.mulf %get3A_1432, %get3A_1436 : vector<16xf32>
        %add3A_1438 = arith.addf %add3A_1428, %mul3A_1437 : vector<16xf32>
        %get3A_1439 = arith.index_cast %add3A_1409 : i32 to index
        %get3A_1440 = arith.constant 48 : index
        %get3A_1441 = tpu.vector_load %arg11[%get3A_1439, %get3A_1440] {strides = array<i32>} : memref<256x128xf32, #tpu.memory_space<vmem>>, vector<1x16xf32>,
        %get3A_1442 = vector.shape_cast %get3A_1441 : vector<1x16xf32> to vector<16xf32>
        %get3A_1443 = arith.index_cast %add3A_1409 : i32 to index
        %get3A_1444 = arith.constant 48 : index
        %get3A_1445 = tpu.vector_load %arg12[%get3A_1443, %get3A_1444] {strides = array<i32>} : memref<256x128xf32, #tpu.memory_space<vmem>>, vector<1x16xf32>,
        %get3A_1446 = vector.shape_cast %get3A_1445 : vector<1x16xf32> to vector<16xf32>
        %mul3A_1447 = arith.mulf %get3A_1442, %get3A_1446 : vector<16xf32>
        %add3A_1448 = arith.addf %add3A_1438, %mul3A_1447 : vector<16xf32>
        %lt3A_1449 = arith.constant 0 : i32
        %lt3A_1450 = vector.broadcast %lt3A_1449 : i32 to vector<16xi32>
        %lt3A_1451 = arith.cmpi slt, %select_n3A_23, %lt3A_1450 : vector<16xi32>
        %add3A_1452 = arith.constant 16 : i32
        %add3A_1453 = vector.broadcast %add3A_1452 : i32 to vector<16xi32>
        %add3A_1454 = arith.addi %select_n3A_23, %add3A_1453 : vector<16xi32>
        %select_n3A_1455 = arith.select %lt3A_1451, %add3A_1454, %select_n3A_23 : vector<16xi1>, vector<16xi32>
        %broadcast_in_dim3A_1456 = vector.shape_cast %select_n3A_1455 : vector<16xi32> to vector<16x1xi32>
        %gather3A_1457 = vector.shape_cast %broadcast_in_dim3A_1456 : vector<16x1xi32> to vector<16xi32>
        %gather3A_1458 = tpu.dynamic_gather %add3A_1448[%gather3A_1457] in [0] : vector<16xf32>, vector<16xi32> -> vector<16xf32>
        %add3A_1459 = arith.addf %add3A_1448, %gather3A_1458 : vector<16xf32>
        %lt3A_1460 = arith.constant 0 : i32
        %lt3A_1461 = vector.broadcast %lt3A_1460 : i32 to vector<16xi32>
        %lt3A_1462 = arith.cmpi slt, %select_n3A_48, %lt3A_1461 : vector<16xi32>
        %add3A_1463 = arith.constant 16 : i32
        %add3A_1464 = vector.broadcast %add3A_1463 : i32 to vector<16xi32>
        %add3A_1465 = arith.addi %select_n3A_48, %add3A_1464 : vector<16xi32>
        %select_n3A_1466 = arith.select %lt3A_1462, %add3A_1465, %select_n3A_48 : vector<16xi1>, vector<16xi32>
        %broadcast_in_dim3A_1467 = vector.shape_cast %select_n3A_1466 : vector<16xi32> to vector<16x1xi32>
        %gather3A_1468 = vector.shape_cast %broadcast_in_dim3A_1467 : vector<16x1xi32> to vector<16xi32>
        %gather3A_1469 = tpu.dynamic_gather %add3A_1459[%gather3A_1468] in [0] : vector<16xf32>, vector<16xi32> -> vector<16xf32>
        %add3A_1470 = arith.addf %add3A_1459, %gather3A_1469 : vector<16xf32>
        %lt3A_1471 = arith.constant 0 : i32
        %lt3A_1472 = vector.broadcast %lt3A_1471 : i32 to vector<16xi32>
        %lt3A_1473 = arith.cmpi slt, %select_n3A_73, %lt3A_1472 : vector<16xi32>
        %add3A_1474 = arith.constant 16 : i32
        %add3A_1475 = vector.broadcast %add3A_1474 : i32 to vector<16xi32>
        %add3A_1476 = arith.addi %select_n3A_73, %add3A_1475 : vector<16xi32>
        %select_n3A_1477 = arith.select %lt3A_1473, %add3A_1476, %select_n3A_73 : vector<16xi1>, vector<16xi32>
        %broadcast_in_dim3A_1478 = vector.shape_cast %select_n3A_1477 : vector<16xi32> to vector<16x1xi32>
        %gather3A_1479 = vector.shape_cast %broadcast_in_dim3A_1478 : vector<16x1xi32> to vector<16xi32>
        %gather3A_1480 = tpu.dynamic_gather %add3A_1470[%gather3A_1479] in [0] : vector<16xf32>, vector<16xi32> -> vector<16xf32>
        %add3A_1481 = arith.addf %add3A_1470, %gather3A_1480 : vector<16xf32>
        %lt3A_1482 = arith.constant 0 : i32
        %lt3A_1483 = vector.broadcast %lt3A_1482 : i32 to vector<16xi32>
        %lt3A_1484 = arith.cmpi slt, %select_n3A_98, %lt3A_1483 : vector<16xi32>
        %add3A_1485 = arith.constant 16 : i32
        %add3A_1486 = vector.broadcast %add3A_1485 : i32 to vector<16xi32>
        %add3A_1487 = arith.addi %select_n3A_98, %add3A_1486 : vector<16xi32>
        %select_n3A_1488 = arith.select %lt3A_1484, %add3A_1487, %select_n3A_98 : vector<16xi1>, vector<16xi32>
        %broadcast_in_dim3A_1489 = vector.shape_cast %select_n3A_1488 : vector<16xi32> to vector<16x1xi32>
        %gather3A_1490 = vector.shape_cast %broadcast_in_dim3A_1489 : vector<16x1xi32> to vector<16xi32>
        %gather3A_1491 = tpu.dynamic_gather %add3A_1481[%gather3A_1490] in [0] : vector<16xf32>, vector<16xi32> -> vector<16xf32>
        %add3A_1492 = arith.addf %add3A_1481, %gather3A_1491 : vector<16xf32>
        %eq3A_1493 = arith.constant 14 : i32
        %eq3A_1494 = vector.broadcast %eq3A_1493 : i32 to vector<16xi32>
        %eq3A_1495 = arith.cmpi eq, %iota3A, %eq3A_1494 : vector<16xi32>
        %select_n3A_1496 = arith.select %eq3A_1495, %add3A_1492, %select_n3A_1405 : vector<16xi1>, vector<16xf32>
        %mul3A_1497 = arith.constant 16 : i32
        %mul3A_1498 = arith.muli %scan3A_132, %mul3A_1497 : i32
        %add3A_1499 = arith.constant 15 : i32
        %add3A_1500 = arith.addi %mul3A_1498, %add3A_1499 : i32
        %get3A_1501 = arith.index_cast %add3A_1500 : i32 to index
        %get3A_1502 = arith.constant 0 : index
        %get3A_1503 = tpu.vector_load %arg11[%get3A_1501, %get3A_1502] {strides = array<i32>} : memref<256x128xf32, #tpu.memory_space<vmem>>, vector<1x16xf32>,
        %get3A_1504 = vector.shape_cast %get3A_1503 : vector<1x16xf32> to vector<16xf32>
        %get3A_1505 = arith.index_cast %add3A_1500 : i32 to index
        %get3A_1506 = arith.constant 0 : index
        %get3A_1507 = tpu.vector_load %arg12[%get3A_1505, %get3A_1506] {strides = array<i32>} : memref<256x128xf32, #tpu.memory_space<vmem>>, vector<1x16xf32>,
        %get3A_1508 = vector.shape_cast %get3A_1507 : vector<1x16xf32> to vector<16xf32>
        %mul3A_1509 = arith.mulf %get3A_1504, %get3A_1508 : vector<16xf32>
        %get3A_1510 = arith.index_cast %add3A_1500 : i32 to index
        %get3A_1511 = arith.constant 16 : index
        %get3A_1512 = tpu.vector_load %arg11[%get3A_1510, %get3A_1511] {strides = array<i32>} : memref<256x128xf32, #tpu.memory_space<vmem>>, vector<1x16xf32>,
        %get3A_1513 = vector.shape_cast %get3A_1512 : vector<1x16xf32> to vector<16xf32>
        %get3A_1514 = arith.index_cast %add3A_1500 : i32 to index
        %get3A_1515 = arith.constant 16 : index
        %get3A_1516 = tpu.vector_load %arg12[%get3A_1514, %get3A_1515] {strides = array<i32>} : memref<256x128xf32, #tpu.memory_space<vmem>>, vector<1x16xf32>,
        %get3A_1517 = vector.shape_cast %get3A_1516 : vector<1x16xf32> to vector<16xf32>
        %mul3A_1518 = arith.mulf %get3A_1513, %get3A_1517 : vector<16xf32>
        %add3A_1519 = arith.addf %mul3A_1509, %mul3A_1518 : vector<16xf32>
        %get3A_1520 = arith.index_cast %add3A_1500 : i32 to index
        %get3A_1521 = arith.constant 32 : index
        %get3A_1522 = tpu.vector_load %arg11[%get3A_1520, %get3A_1521] {strides = array<i32>} : memref<256x128xf32, #tpu.memory_space<vmem>>, vector<1x16xf32>,
        %get3A_1523 = vector.shape_cast %get3A_1522 : vector<1x16xf32> to vector<16xf32>
        %get3A_1524 = arith.index_cast %add3A_1500 : i32 to index
        %get3A_1525 = arith.constant 32 : index
        %get3A_1526 = tpu.vector_load %arg12[%get3A_1524, %get3A_1525] {strides = array<i32>} : memref<256x128xf32, #tpu.memory_space<vmem>>, vector<1x16xf32>,
        %get3A_1527 = vector.shape_cast %get3A_1526 : vector<1x16xf32> to vector<16xf32>
        %mul3A_1528 = arith.mulf %get3A_1523, %get3A_1527 : vector<16xf32>
        %add3A_1529 = arith.addf %add3A_1519, %mul3A_1528 : vector<16xf32>
        %get3A_1530 = arith.index_cast %add3A_1500 : i32 to index
        %get3A_1531 = arith.constant 48 : index
        %get3A_1532 = tpu.vector_load %arg11[%get3A_1530, %get3A_1531] {strides = array<i32>} : memref<256x128xf32, #tpu.memory_space<vmem>>, vector<1x16xf32>,
        %get3A_1533 = vector.shape_cast %get3A_1532 : vector<1x16xf32> to vector<16xf32>
        %get3A_1534 = arith.index_cast %add3A_1500 : i32 to index
        %get3A_1535 = arith.constant 48 : index
        %get3A_1536 = tpu.vector_load %arg12[%get3A_1534, %get3A_1535] {strides = array<i32>} : memref<256x128xf32, #tpu.memory_space<vmem>>, vector<1x16xf32>,
        %get3A_1537 = vector.shape_cast %get3A_1536 : vector<1x16xf32> to vector<16xf32>
        %mul3A_1538 = arith.mulf %get3A_1533, %get3A_1537 : vector<16xf32>
        %add3A_1539 = arith.addf %add3A_1529, %mul3A_1538 : vector<16xf32>
        %lt3A_1540 = arith.constant 0 : i32
        %lt3A_1541 = vector.broadcast %lt3A_1540 : i32 to vector<16xi32>
        %lt3A_1542 = arith.cmpi slt, %select_n3A_23, %lt3A_1541 : vector<16xi32>
        %add3A_1543 = arith.constant 16 : i32
        %add3A_1544 = vector.broadcast %add3A_1543 : i32 to vector<16xi32>
        %add3A_1545 = arith.addi %select_n3A_23, %add3A_1544 : vector<16xi32>
        %select_n3A_1546 = arith.select %lt3A_1542, %add3A_1545, %select_n3A_23 : vector<16xi1>, vector<16xi32>
        %broadcast_in_dim3A_1547 = vector.shape_cast %select_n3A_1546 : vector<16xi32> to vector<16x1xi32>
        %gather3A_1548 = vector.shape_cast %broadcast_in_dim3A_1547 : vector<16x1xi32> to vector<16xi32>
        %gather3A_1549 = tpu.dynamic_gather %add3A_1539[%gather3A_1548] in [0] : vector<16xf32>, vector<16xi32> -> vector<16xf32>
        %add3A_1550 = arith.addf %add3A_1539, %gather3A_1549 : vector<16xf32>
        %lt3A_1551 = arith.constant 0 : i32
        %lt3A_1552 = vector.broadcast %lt3A_1551 : i32 to vector<16xi32>
        %lt3A_1553 = arith.cmpi slt, %select_n3A_48, %lt3A_1552 : vector<16xi32>
        %add3A_1554 = arith.constant 16 : i32
        %add3A_1555 = vector.broadcast %add3A_1554 : i32 to vector<16xi32>
        %add3A_1556 = arith.addi %select_n3A_48, %add3A_1555 : vector<16xi32>
        %select_n3A_1557 = arith.select %lt3A_1553, %add3A_1556, %select_n3A_48 : vector<16xi1>, vector<16xi32>
        %broadcast_in_dim3A_1558 = vector.shape_cast %select_n3A_1557 : vector<16xi32> to vector<16x1xi32>
        %gather3A_1559 = vector.shape_cast %broadcast_in_dim3A_1558 : vector<16x1xi32> to vector<16xi32>
        %gather3A_1560 = tpu.dynamic_gather %add3A_1550[%gather3A_1559] in [0] : vector<16xf32>, vector<16xi32> -> vector<16xf32>
        %add3A_1561 = arith.addf %add3A_1550, %gather3A_1560 : vector<16xf32>
        %lt3A_1562 = arith.constant 0 : i32
        %lt3A_1563 = vector.broadcast %lt3A_1562 : i32 to vector<16xi32>
        %lt3A_1564 = arith.cmpi slt, %select_n3A_73, %lt3A_1563 : vector<16xi32>
        %add3A_1565 = arith.constant 16 : i32
        %add3A_1566 = vector.broadcast %add3A_1565 : i32 to vector<16xi32>
        %add3A_1567 = arith.addi %select_n3A_73, %add3A_1566 : vector<16xi32>
        %select_n3A_1568 = arith.select %lt3A_1564, %add3A_1567, %select_n3A_73 : vector<16xi1>, vector<16xi32>
        %broadcast_in_dim3A_1569 = vector.shape_cast %select_n3A_1568 : vector<16xi32> to vector<16x1xi32>
        %gather3A_1570 = vector.shape_cast %broadcast_in_dim3A_1569 : vector<16x1xi32> to vector<16xi32>
        %gather3A_1571 = tpu.dynamic_gather %add3A_1561[%gather3A_1570] in [0] : vector<16xf32>, vector<16xi32> -> vector<16xf32>
        %add3A_1572 = arith.addf %add3A_1561, %gather3A_1571 : vector<16xf32>
        %lt3A_1573 = arith.constant 0 : i32
        %lt3A_1574 = vector.broadcast %lt3A_1573 : i32 to vector<16xi32>
        %lt3A_1575 = arith.cmpi slt, %select_n3A_98, %lt3A_1574 : vector<16xi32>
        %add3A_1576 = arith.constant 16 : i32
        %add3A_1577 = vector.broadcast %add3A_1576 : i32 to vector<16xi32>
        %add3A_1578 = arith.addi %select_n3A_98, %add3A_1577 : vector<16xi32>
        %select_n3A_1579 = arith.select %lt3A_1575, %add3A_1578, %select_n3A_98 : vector<16xi1>, vector<16xi32>
        %broadcast_in_dim3A_1580 = vector.shape_cast %select_n3A_1579 : vector<16xi32> to vector<16x1xi32>
        %gather3A_1581 = vector.shape_cast %broadcast_in_dim3A_1580 : vector<16x1xi32> to vector<16xi32>
        %gather3A_1582 = tpu.dynamic_gather %add3A_1572[%gather3A_1581] in [0] : vector<16xf32>, vector<16xi32> -> vector<16xf32>
        %add3A_1583 = arith.addf %add3A_1572, %gather3A_1582 : vector<16xf32>
        %eq3A_1584 = arith.constant 15 : i32
        %eq3A_1585 = vector.broadcast %eq3A_1584 : i32 to vector<16xi32>
        %eq3A_1586 = arith.cmpi eq, %iota3A, %eq3A_1585 : vector<16xi32>
        %select_n3A_1587 = arith.select %eq3A_1586, %add3A_1583, %select_n3A_1496 : vector<16xi1>, vector<16xf32>
        %mul3A_1588 = arith.constant 16 : i32
        %mul3A_1589 = arith.muli %scan3A_132, %mul3A_1588 : i32
        %add3A_1590 = arith.addi %mul3A_109, %mul3A_1589 : i32
        %get3A_1591 = arith.index_cast %add3A_1590 : i32 to index
        %get3A_1592 = tpu.vector_load %arg13[%get3A_1591] {strides = array<i32>} : memref<512xf32, #tpu.memory_space<vmem>>, vector<16xf32>,
        %get3A_1593 = vector.shape_cast %get3A_1592 : vector<16xf32> to vector<16xf32>
        %add3A_1594 = arith.addf %select_n3A_1587, %get3A_1593 : vector<16xf32>
        %get3A_1595 = arith.index_cast %add3A_1590 : i32 to index
        %get3A_1596 = tpu.vector_load %arg14[%get3A_1595] {strides = array<i32>} : memref<512xf32, #tpu.memory_space<vmem>>, vector<16xf32>,
        %get3A_1597 = vector.shape_cast %get3A_1596 : vector<16xf32> to vector<16xf32>
        %add3A_1598 = arith.addf %add3A_1594, %get3A_1597 : vector<16xf32>
        %swap3A = arith.index_cast %add3A_1590 : i32 to index
        %swap3A_1599 = tpu.vector_load %arg15[%swap3A] {strides = array<i32>} : memref<512xf32, #tpu.memory_space<vmem>>, vector<16xf32>,
        %swap3A_1600 = vector.shape_cast %swap3A_1599 : vector<16xf32> to vector<16xf32>
        %swap3A_1601 = vector.shape_cast %add3A_1598 : vector<16xf32> to vector<16xf32>
        tpu.vector_store %arg15[%swap3A], %swap3A_1601 {strides = array<i32>} : memref<512xf32, #tpu.memory_space<vmem>>, vector<16xf32>,
      }
      %scan3A_131 = arith.constant 16 : i32
    }
    %scan3A_106 = arith.constant 2 : i32
    "tpu.region"() ({
      %run_scoped3A = tpu.sem_alloc : memref<!tpu.dma_semaphore, #tpu.memory_space<semaphore_mem>>
      %dma_start3A_107 = tpu.memref_slice %arg8[%mul3A_2] : memref<16384xf32, #tpu.memory_space<hbm>> -> memref<512xf32, #tpu.memory_space<hbm>>
      %dma_start3A_108 = tpu.memref_slice %arg8[%mul3A_2] : memref<16384xf32, #tpu.memory_space<hbm>> -> memref<512xf32, #tpu.memory_space<hbm>>
      tpu.enqueue_dma source(%arg15 : memref<512xf32, #tpu.memory_space<vmem>>) target(%dma_start3A_108 : memref<512xf32, #tpu.memory_space<hbm>>) target_semaphore(%run_scoped3A : memref<!tpu.dma_semaphore, #tpu.memory_space<semaphore_mem>>)
      %dma_wait3A_109 = tpu.memref_slice %arg8[%mul3A_2] : memref<16384xf32, #tpu.memory_space<hbm>> -> memref<512xf32, #tpu.memory_space<hbm>>
      %dma_wait3A_110 = tpu.memref_slice %arg8[%mul3A_2] : memref<16384xf32, #tpu.memory_space<hbm>> -> memref<512xf32, #tpu.memory_space<hbm>>
      tpu.wait_dma2 semaphore(%run_scoped3A : memref<!tpu.dma_semaphore, #tpu.memory_space<semaphore_mem>>) src(%arg15 : memref<512xf32, #tpu.memory_space<vmem>>) dst(%dma_wait3A_110 : memref<512xf32, #tpu.memory_space<hbm>>)
      tpu.yield
    }) : () -> ()
    return
  }
}

</mosaic_0001>

<sc_bundles>
// kernel: _mf_call.3.cloned.1.call-start
scs
__scs_entry_jumppad:
0x0: {  	(pc) =	sbr.rel $0x88, $3  }
0x1: {  	(tag) =	ssettag $0x0;
	lr =	simm.s32 $0x1  }
0x2: {  	[smem:$0x3F9B] =	sst lr;
	_ =	strace $0xD0000000  }
0x3: {  	_ = 	snop  }
0x4: {  	_ = 	snop  }
0x5: {  	_ = 	snop  }
0x6: {  	_ = 	snop  }
0x7: {  	_ = 	snop  }
__scs_overlays_trampoline_lowered:
0x8: {  	[smem:$0x3FAA] =	sst s0  }
0x9: {  	[smem:$0x3FAB] =	sst s1  }
0xa: {  	[smem:$0x3FAC] =	sst s2  }
0xb: {  	[smem:$0x3FAD] =	sst s3  }
0xc: {  	[smem:$0x3FAE] =	sst s4  }
0xd: {  	[smem:$0x3FAF] =	sst s5  }
0xe: {  	[smem:$0x3FB0] =	sst s6  }
0xf: {  	[smem:$0x3FB1] =	sst s7  }
0x10: {  	[smem:$0x3FB2] =	sst s8  }
0x11: {  	[smem:$0x3FB3] =	sst s9;
	s0 =	simm.s32 @!p0 $0x0  }
0x12: {  	s1 =	sld [smem:$0x3F99];
	s0 =	simm.s32 @p0 $0x1  }
0x13: {  	[smem:$0x3FB4] =	sst s0;
	s0 =	simm.s32 @!p1 $0x0  }
0x14: {  	s2 =	sld [smem:$0x3F98];
	s0 =	simm.s32 @p1 $0x1  }
0x15: {  	[smem:$0x3FB5] =	sst s0;
	s0 =	simm.s32 @!p2 $0x0  }
0x16: {  	s3 =	sld [smem:$0x3FDB];
	s0 =	simm.s32 @p2 $0x1  }
0x17: {  	s4 =	simm.s32 $0x1BF5;
	[smem:$0x3FB7] =	sst s0  }
0x18: {  	s0 =	sld [smem:$0x3F9A];
	_ =	swait.ge [sflag:s4], $0x0  }
0x19: {  	s7 =	sld [smem:$0x3F9B]  }
0x1a: {  	s8 =	sadd.s32 $0xFFFFE003, lr  }
0x1b: {  	s9 =	sadd.s32 $0xFFFFFEF7, lr;
	s5 =	simm.s32 $0xFFFFFFFF;
	p2 =	slt.u32 s8, $0xFFFFF086  }
0x1c: {  	p1 =	slt.u32 s9, $0xF7A;
	s5 =	simm.s32 @!p2 $0x0  }
0x1d: {  	s5 =	simm.s32 @p1 $0x1;
	p0 =	seq.s32 s7, s2  }
0x1e: {  	s7 =	smul.u32 @!p0 $0xF7A, s2;
	p2 =	seq.s32 @!p0 s5, $0x0  }
0x1f: {  	s9 =	smul.u32 $0xF7A, s1;
	s8 =	simm.s32 @!p0 $0x1BF5;
	p2 =	por !p2, p0  }
0x20: {  	[sflag:s8] =	ssyncset.s32 @!p0 $0xFFFFF086;
	s6 =	sadd.s32 @!p0 s3, s7;
	s7 =	simm.s32 @!p0 $0x108  }
0x21: {  	s3 =	sadd.s32 s3, s9;
	s6 =	sadd.s32 @!p0 $0x88, s6;
	s7 =	simm.s32 @p2 $0x1082  }
0x22: {  	[simem:s7], [sflag:s8] =	dma.local @!p0 [hbm:s6], $0xF7A  }
0x23: {  	s9 =	sor.u32 $0xD0000000, s2;
	s6 =	simm.s32 $0x108;
	_ =	swait.ge @!p0 [sflag:s8], $0x0  }
0x24: {  	s3 =	sadd.s32 $0x88, s3;
	s6 =	simm.s32 @!p1 $0x1082;
	[sflag:s4] =	ssyncset.s32 $0xFFFFF086  }
0x25: {  	[simem:s6], [sflag:s4] =	dma.local [hbm:s3], $0xF7A  }
0x26: {  	[smem:$0x3F9B] =	sst s1;
	(tag) =	ssettag s2;
	_ =	strace s9  }
0x27: {  	s1 =	sld [smem:$0x3FAB]  }
0x28: {  	s2 =	sld [smem:$0x3FAC]  }
0x29: {  	s4 =	sld [smem:$0x3FAE]  }
0x2a: {  	p0 =	seq.s32 s5, $0x0;
	s5 =	sld [smem:$0x3FAF]  }
0x2b: {  	s6 =	sld [smem:$0x3FB0]  }
0x2c: {  	s7 =	sld [smem:$0x3FB1]  }
0x2d: {  	s3 =	simm.s32 $0x108;
	s8 =	sld [smem:$0x3FB2]  }
0x2e: {  	s3 =	simm.s32 @!p0 $0x1082;
	s9 =	sld [smem:$0x3FB3]  }
0x2f: {  	lr =	sadd.s32 s0, s3;
	s0 =	sld [smem:$0x3FAA]  }
0x30: {  	s3 =	sld [smem:$0x3FAD]  }
0x31: {  	[smem:$0x3FB6] =	sst s10  }
0x32: {  	s10 =	sld [smem:$0x3FB4];
	_ =	sdelay $0x3  }
0x33: {  	p0 =	seq.s32 s10, $0x1;
	s10 =	sld [smem:$0x3FB6];
	_ =	sdelay $0x3  }
0x34: {  	[smem:$0x3FB6] =	sst s10  }
0x35: {  	s10 =	sld [smem:$0x3FB5];
	_ =	sdelay $0x3  }
0x36: {  	p1 =	seq.s32 s10, $0x1;
	s10 =	sld [smem:$0x3FB6];
	_ =	sdelay $0x3  }
0x37: {  	[smem:$0x3FB6] =	sst s10  }
0x38: {  	s10 =	sld [smem:$0x3FB7]  }
0x39: {  	_ = 	snop;
	(pc) =	sbr.ind lr, $3  }
0x3a: {  	_ = 	snop  }
0x3b: {  	_ = 	snop  }
0x3c: {  	p2 =	seq.s32 s10, $0x1;
	s10 =	sld [smem:$0x3FB6]  }
0x3d: {  	_ =	shalt  }
0x3e: {  	_ =	shalt  }
0x3f: {  	_ =	shalt  }
0x40: {  	_ =	shalt  }
0x41: {  	_ =	shalt  }
0x42: {  	_ =	shalt  }
0x43: {  	_ =	shalt  }
0x44: {  	_ =	shalt  }
0x45: {  	_ =	shalt  }
0x46: {  	_ =	shalt  }
0x47: {  	_ =	shalt  }
0x48: {  	_ =	shalt  }
0x49: {  	_ =	shalt  }
0x4a: {  	_ =	shalt  }
0x4b: {  	_ =	shalt  }
0x4c: {  	_ =	shalt  }
0x4d: {  	_ =	shalt  }
0x4e: {  	_ =	shalt  }
0x4f: {  	_ =	shalt  }
0x50: {  	_ =	shalt  }
0x51: {  	_ =	shalt  }
0x52: {  	_ =	shalt  }
0x53: {  	_ =	shalt  }
0x54: {  	_ =	shalt  }
0x55: {  	_ =	shalt  }
0x56: {  	_ =	shalt  }
0x57: {  	_ =	shalt  }
0x58: {  	_ =	shalt  }
0x59: {  	_ =	shalt  }
0x5a: {  	_ =	shalt  }
0x5b: {  	_ =	shalt  }
0x5c: {  	_ =	shalt  }
0x5d: {  	_ =	shalt  }
0x5e: {  	_ =	shalt  }
0x5f: {  	_ =	shalt  }
0x60: {  	_ =	shalt  }
0x61: {  	_ =	shalt  }
0x62: {  	_ =	shalt  }
0x63: {  	_ =	shalt  }
0x64: {  	_ =	shalt  }
0x65: {  	_ =	shalt  }
0x66: {  	_ =	shalt  }
0x67: {  	_ =	shalt  }
0x68: {  	_ =	shalt  }
0x69: {  	_ =	shalt  }
0x6a: {  	_ =	shalt  }
0x6b: {  	_ =	shalt  }
0x6c: {  	_ =	shalt  }
0x6d: {  	_ =	shalt  }
0x6e: {  	_ =	shalt  }
0x6f: {  	_ =	shalt  }
0x70: {  	_ =	shalt  }
0x71: {  	_ =	shalt  }
0x72: {  	_ =	shalt  }
0x73: {  	_ =	shalt  }
0x74: {  	_ =	shalt  }
0x75: {  	_ =	shalt  }
0x76: {  	_ =	shalt  }
0x77: {  	_ =	shalt  }
0x78: {  	_ =	shalt  }
0x79: {  	_ =	shalt  }
0x7a: {  	_ =	shalt  }
0x7b: {  	_ =	shalt  }
0x7c: {  	_ =	shalt  }
0x7d: {  	_ =	shalt  }
0x7e: {  	_ =	shalt  }
0x7f: {  	_ =	shalt  }
0x80: {  	_ =	shalt  }
0x81: {  	_ =	shalt  }
0x82: {  	_ =	shalt  }
0x83: {  	_ =	shalt  }
0x84: {  	_ =	shalt  }
0x85: {  	_ =	shalt  }
0x86: {  	_ =	shalt  }
0x87: {  	_ =	shalt  }
.Lfunc_end0:
.L_simem_size_0:
called_computation_lowered:
.L_overlay_start_0:
0x88: {  	s2 =	sld [smem:$0x3FD9]  }
0x89: {  	s3 =	sld [smem:$0x3FFE];
	_ =	sdelay $0x1  }
0x8a: {  	s1 =	srdreg.scid  }
0x8b: {  	s0 =	sand.u32 $0x1, s1  }
0x8c: {  	s18 =	sshll.u32 s0, $0xA;
	s2 =	sadd.s32 s3, s2  }
0x8d: {  	s2 =	sadd.s32 s2, s18  }
0x8e: {  	[smem:$0x3FC2] =	sst s2  }
0x8f: {  	_ = 	snop  }
0x90: {  	s2 =	sld [smem:$0x3FC9]  }
0x91: {  	s19 =	sld [smem:$0x3FC8]  }
0x92: {  	s4 =	sld [smem:$0x3FC7]  }
0x93: {  	s5 =	sld [smem:$0x3FC6]  }
0x94: {  	s6 =	sld [smem:$0x3FC5]  }
0x95: {  	s7 =	sld [smem:$0x3FC4]  }
0x96: {  	s8 =	sld [smem:$0x3FD0];
	(tm) =	ssettm $0x1  }
0x97: {  	s9 =	sld [smem:$0x3FFB];
	_ =	sdelay $0x3  }
0x98: {  	_ =	strace s9  }
0x99: {  	s9 =	sld [smem:$0x3FFC];
	_ =	sdelay $0x3  }
0x9a: {  	_ =	strace s9  }
0x9b: {  	s9 =	sld [smem:$0x3FFD];
	_ =	sdelay $0x3  }
0x9c: {  	_ =	strace s9  }
0x9d: {  	_ =	strace $0x8FFFFFFF  }
0x9e: {  	s20 =	sld [smem:$0x3FDB];
	_ =	sdelay $0x1  }
0x9f: {  	s10 =	simm.s32 $_scs_section_size  }
0xa0: {  	s11 =	simm.s32 $_size__tile_overlayer_lowered;
	s12 =	simm.s32 $_tile_overlayer_lowered  }
0xa1: {  	s23 =	simm.s32 $0x1BFF;
	s22 =	sshll.u32 s12, $0x1;
	s9 =	sadd.s32 s10, s20  }
0xa2: {  	s13 =	simm.s32 $0x0;
	s21 =	sshll.u32 s11, $0x1;
	s11 =	sadd.s32 s22, s9  }
0xa3: {  	[timem:s13], [sflag:s23] =	dma.local [hbm:s11], s21  }
0xa4: {  	_ =	swait.ge [sflag:s23], s21  }
0xa5: {  	s10 =	ssub.s32 $0x0, s21;
	[sflag:s23] =	ssyncset.done $0x0  }
0xa6: {  	[sflag:s23] =	ssyncadd.s32 s10;
	_ =	sdelay $0x1  }
0xa7: {  	s24 =	simm.s32 $0x1B8B  }
0xa8: {  	_ =	swait.ge [sflag:s24], $0x1  }
0xa9: {  	[sflag:s24] =	ssyncset.done $0x0  }
0xaa: {  	s25 =	simm.s32 $0x1B8E;
	[sflag:s24] =	ssyncadd.s32 $0xFFFFFFFF  }
0xab: {  	s26 =	simm.s32 $execute0_lowered;
	[smem:$0x3FD2] =	sst s25  }
0xac: {  	s10 =	sshll.u32 s26, $0x1;
	_ =	strace $0x80000046;
	[dreg:$0x1] =	wrdreg $0xFFFFFFFF  }
0xad: {  	s28 =	simm.s32 $_size_execute0_lowered;
	s9 =	sadd.s32 s9, s10;
	[dreg:$0x0] =	wrdreg $0x0  }
0xae: {  	s10 =	sshll.u32 s28, $0x1;
	[dreg:$0x2] =	wrdreg s9  }
0xaf: {  	[dreg:$0x3] =	wrdreg s10  }
0xb0: {  	[dreg:$0x4] =	wrdreg $0xC0  }
0xb1: {  	_ =	task [dreg:s13], $0x5FFFF  }
0xb2: {  	[dreg:$0x1] =	wrdreg $0xFFFFFFFF  }
0xb3: {  	[dreg:$0x0] =	wrdreg $0x60  }
0xb4: {  	[dreg:$0x2] =	wrdreg s2  }
0xb5: {  	[dreg:$0x3] =	wrdreg s19  }
0xb6: {  	[dreg:$0x4] =	wrdreg s4  }
0xb7: {  	[dreg:$0x5] =	wrdreg s5  }
0xb8: {  	[dreg:$0x6] =	wrdreg s6  }
0xb9: {  	[dreg:$0x7] =	wrdreg s7  }
0xba: {  	[dreg:$0x8] =	wrdreg s8  }
0xbb: {  	[dreg:$0x9] =	wrdreg $0x9  }
0xbc: {  	_ =	task.clear_ibuf [dreg:s13], $0xAFFFF;
	_ =	strace $0x90000046  }
0xbd: {  	s29 =	simm.s32 $0x9;
	_ =	strace $0x80000048  }
0xbe: {  	_ =	swait.ge [sflag:s29], $0x1  }
0xbf: {  	[sflag:s29] =	ssyncadd.s32 $0xFFFFFFFF  }
0xc0: {  	_ =	strace $0x90000048  }
0xc1: {  	_ =	sfence  }
0xc2: {  	s30 =	sld [smem:$0x0];
	_ =	sdelay $0x2  }
0xc3: {  	s31 =	sshll.u32 s1, $0xD;
	s1 =	sshrl.u32 s1, $0x2  }
0xc4: {  	s3 =	sand.u32 $0x4000, s31;
	s1 =	sadd.s32 s1, s30  }
0xc5: {  	s0 =	sor.u32 s3, s0;
	s1 =	sshll.u32 s1, $0x11  }
0xc6: {  	s0 =	sor.u32 s1, s0  }
0xc7: {  	s0 =	sadd.s32 $0x8F2B, s0  }
0xc8: {  	[sflag:s0] =	ssyncadd.remote.s32 $0x1  }
0xc9: {  	_ =	sfence.sel $0xFFFF  }
0xca: {  	[dreg:$0x0] =	wrdreg $0xFFFFFFFF;
	(pc) =	sbr.abs _section_cstart, $3  }
0xcb: {  	[dreg:$0x1] =	wrdreg $0xFFFFFFFF  }
0xcc: {  	_ =	task.clear_ibuf [dreg:s13], $0x2FFFF;
	_ =	strace $0x9FFFFFFF  }
0xcd: {  	(tm) =	ssettm $0x7FFFFFFF  }
tec
execute0_lowered:
.L_overlay_start_1:
0x0: {  	(tag) =	ssettag $0x1  }
0x1: {  	v0 =	vimm.s32 $0xFEDCBA98;
	v1 =	vimm.s32 $0x76543210;
	s7 =	rddreg [dreg:$0x0]  }
0x2: {  	s8 =	rddreg [dreg:$0x1];
	v2 =	vimm.s32 $0x3210FEDC;
	v3 =	vimm.s32 $0xBA987654;
	v4 =	vimm.s32 $0x10FEDCBA  }
0x3: {  	s0 =	rddreg [dreg:$0x2];
	v5 =	vimm.s32 $0x98765432;
	v6 =	vimm.s32 $0xFEDCBA9;
	v7 =	vimm.s32 $0x87654321  }
0x4: {  	s1 =	rddreg [dreg:$0x3];
	vm0 =	vmmov $0x1;
	vm1 =	vmmov $0x3;
	vm2 =	vmmov $0x7  }
0x5: {  	s2 =	rddreg [dreg:$0x4];
	vm3 =	vmmov $0xf;
	vm4 =	vmmov $0x1f;
	vm5 =	vmmov $0x3f  }
0x6: {  	s3 =	rddreg [dreg:$0x5];
	vm6 =	vmmov $0x7f;
	vm7 =	vmmov $0xff;
	vm8 =	vmmov $0x1ff  }
0x7: {  	s9 =	rddreg [dreg:$0x6];
	vm9 =	vmmov $0x3ff;
	vm10 =	vmmov $0x7ff;
	vm11 =	vmmov $0xfff  }
0x8: {  	s4 =	rddreg [dreg:$0x7];
	s5 =	simm.s32 $0x0;
	s10 =	srdreg.scid;
	v0 =	vunpack.c.l.s4.s8 v0;
	v1 =	vunpack.c.l.s4.s8 v1;
	v2 =	vunpack.c.l.s4.s8 v2  }
0x9: {  	s6 =	stileid.u32;
	s14 =	simm.s32 $0x10600;
	s15 =	simm.s32 $0x1;
	v3 =	vunpack.c.l.s4.s8 v3;
	v4 =	vunpack.c.l.s4.s8 v4;
	v5 =	vunpack.c.l.s4.s8 v5  }
0xa: {  	s16 =	simm.s32 $0x100;
	s17 =	simm.s32 $0x400;
	s18 =	simm.s32 $0x8400;
	v6 =	vunpack.c.l.s4.s8 v6;
	v7 =	vunpack.c.l.s4.s8 v7;
	v0 =	vunpack.c.0.s8.s32 v0  }
0xb: {  	s19 =	simm.s32 $0x10800;
	s20 =	simm.s32 $0x0;
	s10 =	sand.u32 $0x1, s10;
	v2 =	vunpack.c.0.s8.s32 v2;
	v3 =	vunpack.c.0.s8.s32 v3;
	v4 =	vunpack.c.0.s8.s32 v4  }
0xc: {  	[smem:$0x7FF] =	sst s5;
	s12 =	sshll.u32 s6, $0x7;
	s11 =	ssub.s32 $0x2, s10;
	v5 =	vunpack.c.0.s8.s32 v5;
	v6 =	vunpack.c.0.s8.s32 v6;
	v7 =	vunpack.c.0.s8.s32 v7  }
0xd: {  	vm12 =	vmmov $0x1fff;
	s10 =	sshll.u32 s10, $0x6;
	_ =	strace $0x80000047;
	v1 =	vunpack.c.0.s8.s32 v1;
	s13 =	sshrl.u32 s11, $0x1;
	v2 =	vcombine.low v3, v2  }
0xe: {  	s10 =	sor.u32 s10, s12;
	s12 =	simm.s32 $0x200;
	s11 =	ssub.s32 s11, s13;
	v3 =	vcombine.low v5, v4;
	v4 =	vcombine.low v7, v6;
	v0 =	vand.u32 $0xF, v0  }
0xf: {  	vm13 =	vmmov $0x3fff;
	vm14 =	vmmov $0x7fff;
	s7 =	sadd.s32 s7, s10;
	s8 =	sadd.s32 s8, s10;
	s9 =	sadd.s32 s9, s10;
	v0 =	vcombine.low v0, v1  }
0x10: {  	s13 =	simm.s32 $0x10400;
	s10 =	smax.u32 s11, $0x1;
	s11 =	simm.s32 $0x2;
	v1 =	vand.u32 $0xF, v2;
	v2 =	vand.u32 $0xF, v3;
	v3 =	vand.u32 $0xF, v4  }
.LBB2_1:
0x11: {  	[tilespmem:s5], [sflag:$0x2] =	stream.linear.gather [hbm4b:s7+s5], $0x200, $0x38;
	[tilespmem:$0x10A00] =	vst v63  }
0x12: {  	_ =	swait.ge [sflag:s11], $0x200  }
0x13: {  	[sflag:s11] =	ssyncset.done $0x0  }
0x14: {  	[sflag:s11] =	ssyncadd.s32 $0xFFFFFE00  }
0x15: {  	[tilespmem:s12], [sflag:$0x2] =	stream.linear.gather [hbm4b:s8+s5], $0x200, $0x38;
	[tilespmem:$0x10A00] =	vst v63  }
0x16: {  	_ =	swait.ge [sflag:s11], $0x200  }
0x17: {  	[sflag:s11] =	ssyncset.done $0x0  }
0x18: {  	[sflag:s11] =	ssyncadd.s32 $0xFFFFFE00  }
0x19: {  	[tilespmem:s13], [sflag:$0x1] =	stream.indirect.gather [hbm4b:s2+s12], $0x1, s5, s12, $0xb8;
	[tilespmem:$0x10A00] =	vst v63  }
0x1a: {  	_ = 	snop  }
0x1b: {  	[tilespmem:s14], [sflag:$0x1] =	stream.indirect.gather [hbm4b:s3+s12], $0x1, s12, s12, $0xb8;
	[tilespmem:$0x10A00] =	vst v63  }
0x1c: {  	_ =	swait.ge [sflag:s15], $0x200  }
0x1d: {  	[sflag:s15] =	ssyncset.done $0x0  }
0x1e: {  	[sflag:s15] =	ssyncadd.s32 $0xFFFFFE00  }
0x1f: {  	_ =	swait.ge [sflag:s15], $0x200  }
0x20: {  	[sflag:s15] =	ssyncset.done $0x0  }
0x21: {  	p1 =	por $0x1, $0x1;
	s23 =	simm.s32 $0x0;
	[sflag:s15] =	ssyncadd.s32 $0xFFFFFE00  }
.LBB2_2:
0x22: {  	[tilespmem:s17], [sflag:$0x1] =	stream.indirect.gather [hbm4b:s0+s16], $0x80, s23, s16, $0xb8;
	[tilespmem:$0x10A00] =	vst v63  }
0x23: {  	s21 =	sadd.s32 $0x200, s23  }
0x24: {  	[tilespmem:s18], [sflag:$0x1] =	stream.indirect.gather [hbm4b:s1+s16], $0x80, s21, s16, $0xb8;
	[tilespmem:$0x10A00] =	vst v63  }
0x25: {  	_ =	swait.ge [sflag:s15], $0x8000  }
0x26: {  	[sflag:s15] =	ssyncset.done $0x0  }
0x27: {  	[sflag:s15] =	ssyncadd.s32 $0xFFFF8000  }
0x28: {  	_ =	swait.ge [sflag:s15], $0x8000  }
0x29: {  	[sflag:s15] =	ssyncset.done $0x0  }
0x2a: {  	s21 =	simm.s32 $0x800;
	[sflag:s15] =	ssyncadd.s32 $0xFFFF8000  }
0x2b: {  	s22 =	simm.s32 $0x8800;
	v12 =	vld [tilespmem:s21+$0x330]  }
0x2c: {  	v30 =	vld [tilespmem:s22+$0x330]  }
0x2d: {  	v6 =	vld [tilespmem:s22+$0x320]  }
0x2e: {  	v16 =	vld [tilespmem:s21+$0x320]  }
0x2f: {  	v21 =	vld [tilespmem:s22+$0x230]  }
0x30: {  	v22 =	vld [tilespmem:s21+$0x230]  }
0x31: {  	v7 =	vld [tilespmem:s22+$0x220]  }
0x32: {  	v19 =	vld [tilespmem:s21+$0x220]  }
0x33: {  	v4 =	vld [tilespmem:s22+$0x2B0]  }
0x34: {  	v5 =	vld [tilespmem:s21+$0x2B0]  }
0x35: {  	v18 =	vld [tilespmem:s22+$0x2A0]  }
0x36: {  	v20 =	vld [tilespmem:s21+$0x2A0]  }
0x37: {  	v34 =	vld [tilespmem:s22+$0x290]  }
0x38: {  	v39 =	vld [tilespmem:s21+$0x290]  }
0x39: {  	v8 =	vld [tilespmem:s22+$0x1A0]  }
0x3a: {  	v9 =	vld [tilespmem:s21+$0x120]  }
0x3b: {  	v29 =	vld [tilespmem:s22+$0x190]  }
0x3c: {  	v31 =	vld [tilespmem:s21+$0x190]  }
0x3d: {  	v10 =	vld [tilespmem:s22+$0x180]  }
0x3e: {  	v25 =	vld [tilespmem:s22+$0xFFFFFFB0]  }
0x3f: {  	v27 =	vld [tilespmem:s21+$0xFFFFFFB0]  }
0x40: {  	v23 =	vld [tilespmem:s22+$0x110]  }
0x41: {  	v26 =	vld [tilespmem:s22+$0xFFFFFC80]  }
0x42: {  	v28 =	vld [tilespmem:s21+$0xFFFFFC80]  }
0x43: {  	v15 =	vld [tilespmem:s22+$0xB0]  }
0x44: {  	v40 =	vld [tilespmem:s21+$0xB0]  }
0x45: {  	v38 =	vld [tilespmem:s22+$0xA0]  }
0x46: {  	v41 =	vld [tilespmem:s21+$0xA0]  }
0x47: {  	v32 =	vld [tilespmem:s21+$0x110]  }
0x48: {  	v11 =	vld [tilespmem:s22+$0x100]  }
0x49: {  	v42 =	vld [tilespmem:s21+$0x90]  }
0x4a: {  	v43 =	vld [tilespmem:s22+$0x90]  }
0x4b: {  	v44 =	vld [tilespmem:s22+$0x80]  }
0x4c: {  	v45 =	vld [tilespmem:s21+$0x80]  }
0x4d: {  	v36 =	vld [tilespmem:s22+$0xFFFFFC10]  }
0x4e: {  	v37 =	vld [tilespmem:s21+$0xFFFFFC10]  }
0x4f: {  	v33 =	vld [tilespmem:s22+$0x10]  }
0x50: {  	v35 =	vld [tilespmem:s21+$0x10]  }
0x51: {  	v14 =	vld [tilespmem:s22+$0x0]  }
0x52: {  	v46 =	vld [tilespmem:s22+$0xFFFFFF90]  }
0x53: {  	v47 =	vld [tilespmem:s21+$0xFFFFFF90]  }
0x54: {  	v17 =	vld [tilespmem:s22+$0xFFFFFF80]  }
0x55: {  	v48 =	vld [tilespmem:s21+$0xFFFFFDB0]  }
0x56: {  	v49 =	vld [tilespmem:s22+$0xFFFFFF30]  }
0x57: {  	v50 =	vld [tilespmem:s21+$0xFFFFFF30]  }
0x58: {  	v51 =	vld [tilespmem:s22+$0xFFFFFF20]  }
0x59: {  	v52 =	vld [tilespmem:s21+$0xFFFFFF20]  }
0x5a: {  	v53 =	vld [tilespmem:s22+$0xFFFFFF10]  }
0x5b: {  	v54 =	vld [tilespmem:s21+$0xFFFFFF10]  }
0x5c: {  	v55 =	vld [tilespmem:s22+$0xFFFFFF00]  }
0x5d: {  	v56 =	vld [tilespmem:s21+$0xFFFFFF00]  }
0x5e: {  	v24 =	vld [tilespmem:s22+$0xFFFFFD30]  }
0x5f: {  	v57 =	vld [tilespmem:s22+$0xFFFFFEB0]  }
0x60: {  	v58 =	vld [tilespmem:s21+$0xFFFFFEB0]  }
0x61: {  	v59 =	vld [tilespmem:s22+$0xFFFFFEA0]  }
0x62: {  	v60 =	vld [tilespmem:s21+$0xFFFFFEA0]  }
0x63: {  	v61 =	vld [tilespmem:s22+$0xFFFFFE90]  }
0x64: {  	v62 =	vld [tilespmem:s21+$0xFFFFFE90]  }
0x65: {  	v63 =	vld [tilespmem:s22+$0xFFFFFE80]  }
0x66: {  	v42 =	vmul.f32 v43, v42;
	v43 =	vmul.f32 v44, v45;
	v44 =	vld [tilespmem:s21+$0xFFFFFE80]  }
0x67: {  	v45 =	vld [tilespmem:s21+$0xFFFFFE30]  }
0x68: {  	v41 =	vmul.f32 v38, v41;
	v38 =	vld [tilespmem:s22+$0xFFFFFC30]  }
0x69: {  	v15 =	vmul.f32 v15, v40;
	v40 =	vmul.f32 v51, v52;
	v51 =	vld [tilespmem:s21+$0xFFFFFE10]  }
0x6a: {  	v52 =	vld [tilespmem:s22+$0xFFFFFDB0]  }
0x6b: {  	v53 =	vmul.f32 v53, v54;
	v12 =	vmul.f32 v30, v12;
	v30 =	vld [tilespmem:s21+$0xFFFFFC00]  }
0x6c: {  	v54 =	vmul.f32 v55, v56;
	v60 =	vmul.f32 v59, v60;
	v59 =	vld [tilespmem:s21+$0xFFFFFC90];
	v42 =	vadd.f32 v42, v43  }
0x6d: {  	v43 =	vld [tilespmem:s22+$0xFFFFFE20]  }
0x6e: {  	v56 =	vadd.f32 v53, v54;
	v53 =	vld [tilespmem:s21+$0xFFFFFE20];
	v41 =	vadd.f32 v41, v42  }
0x6f: {  	v54 =	vld [tilespmem:s22+$0xFFFFFE00]  }
0x70: {  	v62 =	vmul.f32 v61, v62;
	v42 =	vld [tilespmem:s22+$0xFFFFFE30];
	v44 =	vmul.f32 v63, v44;
	v15 =	vadd.f32 v15, v41  }
0x71: {  	v40 =	vadd.f32 v40, v56;
	v56 =	vld [tilespmem:s21+$0xFFFFFD20];
	v63 =	vmul.f32 v49, v50  }
0x72: {  	v49 =	vld [tilespmem:s22+$0xFFFFFE10];
	v44 =	vadd.f32 v62, v44;
	v61 =	vperm.xlane v15, v0  }
0x73: {  	v34 =	vmul.f32 v34, v39;
	v50 =	vld [tilespmem:s22+$0xFFFFFD20];
	v40 =	vadd.f32 v63, v40  }
0x74: {  	v62 =	vmul.f32 v57, v58;
	v63 =	vld [tilespmem:s21+$0xFFFFFE00];
	v44 =	vadd.f32 v60, v44;
	v15 =	vadd.f32 v15, v61  }
0x75: {  	v16 =	vmul.f32 v6, v16;
	v48 =	vmul.f32 v52, v48;
	v52 =	vld [tilespmem:s21+$0xFFFFFD10]  }
0x76: {  	v21 =	vmul.f32 v21, v22;
	v57 =	vld [tilespmem:s22+$0xFFFFFCB0];
	v44 =	vadd.f32 v62, v44;
	v61 =	vperm.xlane v15, v1  }
0x77: {  	v22 =	vmul.f32 v7, v19;
	v43 =	vmul.f32 v43, v53;
	v53 =	vld [tilespmem:s22+$0xFFFFFD90]  }
0x78: {  	v58 =	vld [tilespmem:s21+$0xFFFFFC20];
	v60 =	vperm.xlane v40, v0;
	v62 =	vperm.xlane v44, v0;
	v55 =	vadd.f32 v15, v61  }
0x79: {  	v41 =	vmul.f32 v54, v63;
	v54 =	vld [tilespmem:s21+$0xFFFFFDA0];
	v15 =	vmul.f32 v49, v51  }
0x7a: {  	v40 =	vadd.f32 v40, v60;
	v49 =	vld [tilespmem:s22+$0xFFFFFDA0];
	v44 =	vadd.f32 v44, v62;
	v60 =	vperm.xlane v55, v2  }
0x7b: {  	v29 =	vmul.f32 v29, v31;
	v41 =	vadd.f32 v15, v41;
	v15 =	vmul.f32 v4, v5;
	v5 =	vld [tilespmem:s21+$0xFFFFFD90]  }
0x7c: {  	v63 =	vperm.xlane v40, v1;
	v61 =	vperm.xlane v44, v1;
	v51 =	vadd.f32 v55, v60;
	v55 =	vld [tilespmem:s22+$0xFFFFFD80]  }
0x7d: {  	s30 =	sshll.u32 s23, $0x2;
	v20 =	vmul.f32 v18, v20;
	v25 =	vmul.f32 v25, v27;
	v41 =	vadd.f32 v43, v41;
	v43 =	vld [tilespmem:s21+$0xFFFFFD80]  }
0x7e: {  	s23 =	sshra.s32 s30, $0x2;
	v4 =	vadd.f32 v40, v63;
	v40 =	vadd.f32 v44, v61;
	v44 =	vmul.f32 v46, v47;
	v46 =	vld [tilespmem:s22+$0xFFFFFC20]  }
0x7f: {  	s24 =	sadd.s32 $0x10400, s23;
	s31 =	sadd.s32 $0x10600, s23;
	s23 =	sadd.s32 $0x10800, s23;
	v26 =	vmul.f32 v26, v28;
	v42 =	vmul.f32 v42, v45;
	v47 =	vld [tilespmem:s22+$0xFFFFFD10]  }
0x80: {  	v6 =	vmov s23;
	v62 =	vperm.xlane v4, v2;
	v49 =	vmul.f32 v49, v54;
	v54 =	vld [tilespmem:s21+$0xFFFFFCA0]  }
0x81: {  	v45 =	vperm.xlane v51, v3;
	v41 =	vadd.f32 v42, v41;
	v42 =	vmul.f32 v50, v56;
	v50 =	vld [tilespmem:s22+$0xFFFFFC00]  }
0x82: {  	v23 =	vmul.f32 v23, v32;
	v39 =	vadd.f32 v4, v62;
	v62 =	vmul.f32 v53, v5;
	v53 =	vld [tilespmem:s22+$0xFFFFFD00]  }
0x83: {  	v33 =	vmul.f32 v33, v35;
	v60 =	vperm.xlane v41, v0;
	v7 =	vadd.f32 v51, v45;
	v51 =	vld [tilespmem:s21+$0xFFFFFD00]  }
0x84: {  	v4 =	vmov s24;
	v61 =	vperm.xlane v39, v3;
	v43 =	vmul.f32 v55, v43;
	v55 =	vld [tilespmem:s22+$0xFFFFFCA0]  }
0x85: {  	v63 =	vperm.xlane v40, v2;
	v41 =	vadd.f32 v41, v60;
	v47 =	vmul.f32 v47, v52;
	v52 =	vld [tilespmem:s22+$0xFFFFFC90]  }
0x86: {  	v18 =	vadd.f32 v39, v61;
	v60 =	vmul.f32 v36, v37;
	v61 =	vld [tilespmem:s21+$0xFFFFFCB0];
	v43 =	vadd.f32 v62, v43  }
0x87: {  	v40 =	vadd.f32 v40, v63;
	v27 =	vmul.f32 v46, v58;
	v46 =	vld [tilespmem:s21+$0x180];
	v30 =	vmul.f32 v50, v30  }
0x88: {  	v5 =	vmov s31;
	v63 =	vperm.xlane v41, v1;
	v43 =	vadd.f32 v49, v43;
	v49 =	vld [tilespmem:s21+$0xFFFFFD30]  }
0x89: {  	v56 =	vperm.xlane v40, v3;
	v31 =	vmul.f32 v53, v51;
	v51 =	vld [tilespmem:s21+$0xFFFFFF80];
	v28 =	vadd.f32 v60, v30  }
0x8a: {  	v53 =	vld [tilespmem:s21+$0x0];
	v41 =	vadd.f32 v41, v63;
	v50 =	vmul.f32 v55, v54;
	v43 =	vadd.f32 v48, v43  }
0x8b: {  	v63 =	vld [tilespmem:s21+$0xFFFFFC30];
	v48 =	vmul.f32 v52, v59;
	v32 =	vmul.f32 v57, v61;
	v31 =	vadd.f32 v47, v31  }
0x8c: {  	v54 =	vld [tilespmem:s21+$0xFFFFFFA0];
	v27 =	vadd.f32 v27, v28;
	v10 =	vmul.f32 v10, v46;
	v19 =	vperm.xlane v41, v2  }
0x8d: {  	v59 =	vld [tilespmem:s21+$0x100];
	v62 =	vperm.xlane v43, v0;
	v26 =	vadd.f32 v48, v26;
	v31 =	vadd.f32 v42, v31  }
0x8e: {  	v57 =	vld [tilespmem:s22+$0xFFFFFFA0];
	v10 =	vadd.f32 v29, v10;
	v37 =	vadd.f32 v41, v19;
	v24 =	vmul.f32 v24, v49  }
0x8f: {  	v13 =	vld [tilespmem:s22+$0x20];
	v19 =	vadd.f32 v40, v56;
	v17 =	vmul.f32 v17, v51;
	v14 =	vmul.f32 v14, v53  }
0x90: {  	v48 =	vld [tilespmem:s22+$0x120];
	v36 =	vadd.f32 v43, v62;
	v26 =	vadd.f32 v50, v26;
	v55 =	vmul.f32 v38, v63  }
0x91: {  	v56 =	vld [tilespmem:s21+$0x20];
	v41 =	vperm.xlane v37, v3;
	v24 =	vadd.f32 v24, v31;
	v17 =	vadd.f32 v44, v17  }
0x92: {  	v50 =	vld [tilespmem:s21+$0x1A0];
	v14 =	vadd.f32 v33, v14;
	v11 =	vmul.f32 v11, v59;
	v52 =	vperm.xlane v36, v1  }
0x93: {  	v61 =	vld [tilespmem:s22+$0x30];
	v26 =	vadd.f32 v32, v26;
	v27 =	vadd.f32 v55, v27;
	v32 =	vmul.f32 v57, v54  }
0x94: {  	v63 =	vld [tilespmem:s21+$0x30];
	v45 =	vperm.xlane v24, v0;
	v35 =	vadd.f32 v37, v41;
	v11 =	vadd.f32 v23, v11  }
0x95: {  	v43 =	vld [tilespmem:s21+$0x1B0];
	v9 =	vmul.f32 v48, v9;
	v30 =	vadd.f32 v36, v52;
	v60 =	vperm.xlane v26, v0  }
0x96: {  	v55 =	vld [tilespmem:s22+$0x200];
	v62 =	vperm.xlane v27, v0;
	v13 =	vmul.f32 v13, v56;
	v17 =	vadd.f32 v32, v17  }
0x97: {  	v56 =	vld [tilespmem:s21+$0x200];
	v24 =	vadd.f32 v24, v45;
	v8 =	vmul.f32 v8, v50;
	v9 =	vadd.f32 v9, v11  }
0x98: {  	v52 =	vld [tilespmem:s22+$0x280];
	v58 =	vperm.xlane v30, v2;
	v26 =	vadd.f32 v26, v60;
	v27 =	vadd.f32 v27, v62  }
0x99: {  	v13 =	vadd.f32 v13, v14;
	v14 =	vld [tilespmem:s21+$0x280];
	v17 =	vadd.f32 v25, v17;
	v53 =	vperm.xlane v24, v1  }
0x9a: {  	v54 =	vld [tilespmem:s22+$0x130];
	v8 =	vadd.f32 v8, v10;
	v49 =	vperm.xlane v26, v1;
	v51 =	vperm.xlane v27, v1  }
0x9b: {  	v60 =	vld [tilespmem:s21+$0x210];
	v28 =	vadd.f32 v30, v58;
	v30 =	vmul.f32 v61, v63;
	v62 =	vperm.xlane v17, v0  }
0x9c: {  	v10 =	vld [tilespmem:s22+$0x1B0];
	v24 =	vadd.f32 v24, v53;
	v23 =	vmul.f32 v55, v56;
	v27 =	vadd.f32 v27, v51  }
0x9d: {  	v58 =	vld [tilespmem:s22+$0x210];
	v47 =	vperm.xlane v28, v3;
	v26 =	vadd.f32 v26, v49;
	v13 =	vadd.f32 v30, v13  }
0x9e: {  	v63 =	vld [tilespmem:s21+$0x130];
	v17 =	vadd.f32 v17, v62;
	v57 =	vperm.xlane v24, v2;
	v14 =	vmul.f32 v52, v14  }
0x9f: {  	v28 =	vadd.f32 v28, v47;
	v59 =	vperm.xlane v27, v2;
	v61 =	vperm.xlane v26, v2  }
0xa0: {  	v40 =	vperm.xlane v13, v0;
	v45 =	vperm.xlane v17, v1;
	v24 =	vadd.f32 v24, v57  }
0xa1: {  	v10 =	vmul.f32 v10, v43;
	v14 =	vadd.f32 v34, v14;
	v27 =	vadd.f32 v27, v59  }
0xa2: {  	v11 =	vld [tilespmem:s22+$0x390];
	v25 =	vmul.f32 v58, v60;
	v26 =	vadd.f32 v26, v61;
	v13 =	vadd.f32 v13, v40  }
0xa3: {  	v51 =	vld [tilespmem:s21+$0x390];
	v46 =	vmul.f32 v54, v63;
	v17 =	vadd.f32 v17, v45;
	v10 =	vadd.f32 v10, v8  }
0xa4: {  	v41 =	vld [tilespmem:s22+$0x310];
	v42 =	vperm.xlane v24, v3;
	v14 =	vadd.f32 v20, v14;
	v23 =	vadd.f32 v25, v23  }
0xa5: {  	v47 =	vld [tilespmem:s21+$0x300];
	v52 =	vadd.f32 v46, v9;
	v44 =	vperm.xlane v27, v3;
	v48 =	vperm.xlane v26, v3  }
0xa6: {  	v20 =	vld [tilespmem:s22+$0x300];
	v50 =	vperm.xlane v17, v2;
	v24 =	vadd.f32 v24, v42;
	v14 =	vadd.f32 v15, v14  }
0xa7: {  	v49 =	vperm.xlane v13, v1;
	v15 =	vld [tilespmem:s21+$0x310];
	v22 =	vadd.f32 v22, v23;
	v27 =	vadd.f32 v27, v44  }
0xa8: {  	v11 =	vmul.f32 v11, v51;
	v26 =	vadd.f32 v26, v48;
	v17 =	vadd.f32 v17, v50  }
0xa9: {  	v53 =	vld [tilespmem:s22+$0x380];
	v61 =	vperm.xlane v52, v0;
	v13 =	vadd.f32 v13, v49;
	v9 =	vperm.xlane v14, v0  }
0xaa: {  	v54 =	vld [tilespmem:s21+$0x380];
	v21 =	vadd.f32 v21, v22;
	v26 =	vsel vm0, v27, v26;
	v56 =	vperm.xlane v17, v3  }
0xab: {  	v55 =	vld [tilespmem:s22+$0x3A0];
	v20 =	vmul.f32 v20, v47;
	v32 =	vperm.xlane v13, v2;
	v8 =	vsel vm1, v26, v24  }
0xac: {  	v57 =	vld [tilespmem:s21+$0x3A0];
	v15 =	vmul.f32 v41, v15;
	v8 =	vsel vm2, v8, v28;
	v58 =	vadd.f32 v17, v56  }
0xad: {  	v17 =	vadd.f32 v14, v9;
	v9 =	vperm.xlane v21, v0;
	v14 =	vsel vm3, v8, v35  }
0xae: {  	v60 =	vld [tilespmem:s21+$0x3B0];
	v8 =	vadd.f32 v13, v32;
	v13 =	vperm.xlane v10, v0;
	v15 =	vadd.f32 v15, v20  }
0xaf: {  	v59 =	vld [tilespmem:s22+$0x3B0];
	v20 =	vmul.f32 v53, v54;
	v21 =	vadd.f32 v21, v9;
	v63 =	vperm.xlane v17, v1  }
0xb0: {  	v9 =	vperm.xlane v8, v3;
	v62 =	vadd.f32 v10, v13;
	v10 =	vsel vm4, v14, v19  }
0xb1: {  	v15 =	vadd.f32 v16, v15;
	v16 =	vmul.f32 v55, v57;
	v13 =	vperm.xlane v21, v1  }
0xb2: {  	v19 =	vadd.f32 v11, v20;
	v11 =	vadd.f32 v52, v61;
	v10 =	vsel vm5, v10, v18  }
0xb3: {  	v20 =	vperm.xlane v62, v1;
	v13 =	vadd.f32 v21, v13;
	v14 =	vadd.f32 v12, v15  }
0xb4: {  	v18 =	vmul.f32 v59, v60;
	v12 =	vadd.f32 v17, v63;
	v17 =	vadd.f32 v16, v19  }
0xb5: {  	p0 =	por p1, p1;
	s23 =	simm.s32 $0x0;
	s24 =	simm.s32 $0x40;
	v10 =	vsel vm6, v10, v58;
	v15 =	vadd.f32 v62, v20;
	v16 =	vperm.xlane v13, v2  }
.LBB2_3:
0xb6: {  	p1 =	sne.s32 s24, $0x3C0;
	v19 =	vperm.xlane v12, v2;
	v20 =	vperm.xlane v14, v0;
	v17 =	vadd.f32 v18, v17;
	s21 =	sadd.s32 $0x800, s21;
	s22 =	sadd.s32 $0x800, s22  }
0xb7: {  	v18 =	vperm.xlane v11, v1;
	s25 =	smov.u32 s24;
	s24 =	sadd.s32 $0x40, s24;
	v21 =	vperm.xlane v15, v2;
	v13 =	vadd.f32 v13, v16  }
0xb8: {  	v12 =	vadd.f32 v12, v19;
	v14 =	vadd.f32 v14, v20;
	v16 =	vperm.xlane v17, v0  }
0xb9: {  	v11 =	vadd.f32 v11, v18;
	v15 =	vadd.f32 v15, v21;
	v18 =	vperm.xlane v13, v3  }
0xba: {  	v19 =	vperm.xlane v12, v3;
	v20 =	vperm.xlane v14, v1;
	v16 =	vadd.f32 v17, v16  }
0xbb: {  	v17 =	vperm.xlane v11, v2;
	v21 =	vperm.xlane v15, v3;
	v13 =	vadd.f32 v13, v18  }
0xbc: {  	v12 =	vadd.f32 v12, v19;
	v14 =	vadd.f32 v14, v20;
	v18 =	vperm.xlane v16, v1  }
0xbd: {  	v8 =	vadd.f32 v8, v9;
	v9 =	vadd.f32 v11, v17  }
0xbe: {  	v11 =	vadd.f32 v15, v21;
	v15 =	vperm.xlane v14, v2;
	v16 =	vadd.f32 v16, v18  }
0xbf: {  	v17 =	vperm.xlane v9, v3  }
0xc0: {  	v14 =	vadd.f32 v14, v15;
	v15 =	vperm.xlane v16, v2  }
0xc1: {  	v8 =	vsel vm7, v10, v8;
	v9 =	vadd.f32 v9, v17  }
0xc2: {  	s26 =	sshra.s32 s23, $0x2;
	s23 =	smov.u32 s25;
	v7 =	vsel vm8, v8, v7;
	v8 =	vperm.xlane v14, v3;
	v10 =	vadd.f32 v16, v15  }
0xc3: {  	v7 =	vsel vm9, v7, v9;
	v9 =	vld.idx.msk [tilespmem:v4+s26+$0x0 ss:$0x1], $0xffff  }
0xc4: {  	v7 =	vsel vm10, v7, v11;
	v8 =	vadd.f32 v14, v8;
	v11 =	vperm.xlane v10, v3  }
0xc5: {  	v7 =	vsel vm11, v7, v13;
	v13 =	vld.idx.msk [tilespmem:v5+s26+$0x0 ss:$0x1], $0xffff  }
0xc6: {  	v7 =	vsel vm12, v7, v12;
	v10 =	vadd.f32 v10, v11  }
0xc7: {  	v7 =	vsel vm13, v7, v8  }
0xc8: {  	v7 =	vsel vm14, v7, v10  }
0xc9: {  	v7 =	vadd.f32 v7, v9;
	_ =	sdelay $0x1  }
0xca: {  	v7 =	vadd.f32 v7, v13;
	_ =	sdelay $0x1  }
0xcb: {  	[tilespmem:v6+s26+$0x0 ss:$0x1] =	vst.idx.msk $0xffff, v7  }
0xcc: {  	v17 =	vld [tilespmem:s21+$0x330]  }
0xcd: {  	v24 =	vld [tilespmem:s22+$0x330]  }
0xce: {  	v20 =	vld [tilespmem:s22+$0x320]  }
0xcf: {  	v23 =	vld [tilespmem:s21+$0x320]  }
0xd0: {  	v18 =	vld [tilespmem:s22+$0x230]  }
0xd1: {  	v21 =	vld [tilespmem:s21+$0x230]  }
0xd2: {  	v16 =	vld [tilespmem:s22+$0x220]  }
0xd3: {  	v19 =	vld [tilespmem:s21+$0x220]  }
0xd4: {  	v7 =	vld [tilespmem:s22+$0x2B0]  }
0xd5: {  	v8 =	vld [tilespmem:s21+$0x2B0]  }
0xd6: {  	v22 =	vld [tilespmem:s22+$0x2A0]  }
0xd7: {  	v25 =	vld [tilespmem:s21+$0x2A0]  }
0xd8: {  	v9 =	vld [tilespmem:s22+$0x290]  }
0xd9: {  	v13 =	vld [tilespmem:s21+$0x290]  }
0xda: {  	v10 =	vld [tilespmem:s22+$0x1A0];
	v8 =	vmul.f32 v7, v8  }
0xdb: {  	v11 =	vld [tilespmem:s21+$0x120]  }
0xdc: {  	v27 =	vld [tilespmem:s22+$0x190]  }
0xdd: {  	v30 =	vld [tilespmem:s21+$0x190]  }
0xde: {  	v12 =	vld [tilespmem:s22+$0x180];
	v9 =	vmul.f32 v9, v13  }
0xdf: {  	v28 =	vld [tilespmem:s22+$0xFFFFFFB0]  }
0xe0: {  	v31 =	vld [tilespmem:s21+$0xFFFFFFB0]  }
0xe1: {  	v29 =	vld [tilespmem:s22+$0x110]  }
0xe2: {  	v32 =	vld [tilespmem:s22+$0xFFFFFC80]  }
0xe3: {  	v34 =	vld [tilespmem:s21+$0xFFFFFC80]  }
0xe4: {  	v7 =	vld [tilespmem:s22+$0xB0]  }
0xe5: {  	v14 =	vld [tilespmem:s21+$0xB0]  }
0xe6: {  	v15 =	vld [tilespmem:s22+$0xA0]  }
0xe7: {  	v26 =	vld [tilespmem:s21+$0xA0]  }
0xe8: {  	v36 =	vld [tilespmem:s21+$0x110]  }
0xe9: {  	v13 =	vld [tilespmem:s22+$0x100]  }
0xea: {  	v33 =	vld [tilespmem:s21+$0x90]  }
0xeb: {  	v35 =	vld [tilespmem:s22+$0x90]  }
0xec: {  	v41 =	vld [tilespmem:s22+$0x80];
	v42 =	vmul.f32 v15, v26  }
0xed: {  	v26 =	vld [tilespmem:s21+$0x80]  }
0xee: {  	v15 =	vld [tilespmem:s22+$0x20]  }
0xef: {  	v38 =	vld [tilespmem:s22+$0xFFFFFC10]  }
0xf0: {  	v40 =	vld [tilespmem:s21+$0xFFFFFC10];
	v33 =	vmul.f32 v35, v33  }
0xf1: {  	v37 =	vld [tilespmem:s22+$0x10]  }
0xf2: {  	v39 =	vld [tilespmem:s21+$0x10];
	v35 =	vmul.f32 v41, v26  }
0xf3: {  	v26 =	vld [tilespmem:s22+$0x0]  }
0xf4: {  	v41 =	vld [tilespmem:s22+$0xFFFFFF90];
	v35 =	vadd.f32 v33, v35  }
0xf5: {  	v43 =	vld [tilespmem:s21+$0xFFFFFF90]  }
0xf6: {  	v7 =	vmul.f32 v7, v14;
	v33 =	vld [tilespmem:s22+$0xFFFFFF80];
	v35 =	vadd.f32 v42, v35  }
0xf7: {  	v44 =	vld [tilespmem:s21+$0xFFFFFDB0]  }
0xf8: {  	v14 =	vld [tilespmem:s22+$0xFFFFFF30];
	v7 =	vadd.f32 v7, v35  }
0xf9: {  	v42 =	vld [tilespmem:s21+$0xFFFFFF30]  }
0xfa: {  	v45 =	vld [tilespmem:s22+$0xFFFFFF20];
	v35 =	vmul.f32 v41, v43;
	v41 =	vperm.xlane v7, v0  }
0xfb: {  	v43 =	vld [tilespmem:s21+$0xFFFFFF20]  }
0xfc: {  	v46 =	vld [tilespmem:s22+$0xFFFFFF10];
	v7 =	vadd.f32 v7, v41  }
0xfd: {  	v47 =	vld [tilespmem:s21+$0xFFFFFF10]  }
0xfe: {  	v48 =	vld [tilespmem:s22+$0xFFFFFF00];
	v14 =	vmul.f32 v14, v42;
	v42 =	vperm.xlane v7, v1  }
0xff: {  	v49 =	vld [tilespmem:s21+$0xFFFFFF00]  }
0x100: {  	v41 =	vld [tilespmem:s22+$0xFFFFFD30];
	v43 =	vmul.f32 v45, v43;
	v7 =	vadd.f32 v7, v42  }
0x101: {  	v42 =	vld [tilespmem:s22+$0xFFFFFEB0]  }
0x102: {  	v45 =	vld [tilespmem:s21+$0xFFFFFEB0];
	v46 =	vmul.f32 v46, v47;
	v47 =	vperm.xlane v7, v2  }
0x103: {  	v50 =	vld [tilespmem:s22+$0xFFFFFEA0]  }
0x104: {  	v51 =	vld [tilespmem:s21+$0xFFFFFEA0];
	v48 =	vmul.f32 v48, v49;
	v7 =	vadd.f32 v7, v47  }
0x105: {  	v47 =	vld [tilespmem:s22+$0xFFFFFE90]  }
0x106: {  	v49 =	vld [tilespmem:s21+$0xFFFFFE90];
	v46 =	vadd.f32 v46, v48;
	v48 =	vperm.xlane v7, v3  }
0x107: {  	v52 =	vld [tilespmem:s22+$0xFFFFFE80];
	v45 =	vmul.f32 v42, v45  }
0x108: {  	v53 =	vld [tilespmem:s21+$0xFFFFFE80];
	v42 =	vadd.f32 v43, v46;
	v7 =	vadd.f32 v7, v48  }
0x109: {  	v43 =	vld [tilespmem:s21+$0xFFFFFE30];
	v46 =	vmul.f32 v50, v51  }
0x10a: {  	v48 =	vld [tilespmem:s22+$0xFFFFFE20];
	v14 =	vadd.f32 v14, v42  }
0x10b: {  	v42 =	vld [tilespmem:s22+$0xFFFFFC30];
	v47 =	vmul.f32 v47, v49  }
0x10c: {  	v49 =	vld [tilespmem:s22+$0xFFFFFE30];
	v50 =	vperm.xlane v14, v0  }
0x10d: {  	v51 =	vld [tilespmem:s21+$0xFFFFFE20];
	v52 =	vmul.f32 v52, v53  }
0x10e: {  	v53 =	vld [tilespmem:s22+$0xFFFFFE10];
	v14 =	vadd.f32 v14, v50  }
0x10f: {  	v50 =	vld [tilespmem:s21+$0xFFFFFE10];
	v47 =	vadd.f32 v47, v52  }
0x110: {  	v52 =	vld [tilespmem:s22+$0xFFFFFE00];
	v54 =	vperm.xlane v14, v1  }
0x111: {  	v55 =	vld [tilespmem:s21+$0xFFFFFE00];
	v46 =	vadd.f32 v46, v47  }
0x112: {  	v47 =	vld [tilespmem:s22+$0xFFFFFD20];
	v48 =	vmul.f32 v48, v51;
	v14 =	vadd.f32 v14, v54  }
0x113: {  	v51 =	vld [tilespmem:s21+$0xFFFFFD20];
	v45 =	vadd.f32 v45, v46  }
0x114: {  	v46 =	vld [tilespmem:s22+$0xFFFFFCB0];
	v50 =	vmul.f32 v53, v50;
	v53 =	vperm.xlane v14, v2  }
0x115: {  	v54 =	vld [tilespmem:s22+$0xFFFFFDB0];
	v56 =	vperm.xlane v45, v0  }
0x116: {  	v57 =	vld [tilespmem:s22+$0xFFFFFDA0];
	v52 =	vmul.f32 v52, v55;
	v14 =	vadd.f32 v14, v53  }
0x117: {  	v53 =	vld [tilespmem:s21+$0xFFFFFDA0];
	v45 =	vadd.f32 v45, v56  }
0x118: {  	v47 =	vmul.f32 v47, v51;
	v51 =	vld [tilespmem:s22+$0xFFFFFD90];
	v50 =	vadd.f32 v50, v52;
	v52 =	vperm.xlane v14, v3  }
0x119: {  	v55 =	vld [tilespmem:s21+$0xFFFFFD90];
	v56 =	vperm.xlane v45, v1  }
0x11a: {  	v43 =	vmul.f32 v49, v43;
	v58 =	vld [tilespmem:s22+$0xFFFFFD80];
	v48 =	vadd.f32 v48, v50;
	v14 =	vadd.f32 v14, v52  }
0x11b: {  	v44 =	vmul.f32 v54, v44;
	v49 =	vld [tilespmem:s21+$0xFFFFFD80];
	v45 =	vadd.f32 v45, v56  }
0x11c: {  	v50 =	vld [tilespmem:s22+$0xFFFFFC20];
	v52 =	vmul.f32 v57, v53;
	v43 =	vadd.f32 v43, v48  }
0x11d: {  	v48 =	vld [tilespmem:s22+$0xFFFFFD10];
	v53 =	vperm.xlane v45, v2  }
0x11e: {  	v54 =	vld [tilespmem:s21+$0xFFFFFD10];
	v51 =	vmul.f32 v51, v55;
	v55 =	vperm.xlane v43, v0  }
0x11f: {  	v56 =	vld [tilespmem:s21+$0xFFFFFCA0];
	v45 =	vadd.f32 v45, v53  }
0x120: {  	v53 =	vld [tilespmem:s22+$0xFFFFFD00];
	v49 =	vmul.f32 v58, v49;
	v43 =	vadd.f32 v43, v55  }
0x121: {  	v17 =	vmul.f32 v24, v17;
	v55 =	vld [tilespmem:s22+$0xFFFFFCA0];
	v57 =	vperm.xlane v45, v3  }
0x122: {  	v23 =	vmul.f32 v20, v23;
	v24 =	vld [tilespmem:s21+$0xFFFFFC00];
	v49 =	vadd.f32 v51, v49;
	v51 =	vperm.xlane v43, v1  }
0x123: {  	v18 =	vmul.f32 v18, v21;
	v58 =	vld [tilespmem:s22+$0xFFFFFC90];
	v48 =	vmul.f32 v48, v54;
	v20 =	vadd.f32 v45, v57  }
0x124: {  	v16 =	vmul.f32 v16, v19;
	v21 =	vld [tilespmem:s21+$0xFFFFFC90];
	v45 =	vadd.f32 v52, v49;
	v43 =	vadd.f32 v43, v51  }
0x125: {  	v19 =	vmul.f32 v22, v25;
	v27 =	vmul.f32 v27, v30;
	v49 =	vld [tilespmem:s22+$0xFFFFFC00]  }
0x126: {  	v28 =	vmul.f32 v28, v31;
	v22 =	vld [tilespmem:s21+$0xFFFFFD00];
	v25 =	vadd.f32 v44, v45;
	v30 =	vperm.xlane v43, v2  }
0x127: {  	v32 =	vmul.f32 v32, v34;
	v29 =	vmul.f32 v29, v36;
	v31 =	vld [tilespmem:s21+$0xFFFFFC20]  }
0x128: {  	v34 =	vmul.f32 v38, v40;
	v36 =	vld [tilespmem:s21+$0xFFFFFCB0];
	v38 =	vperm.xlane v25, v0;
	v30 =	vadd.f32 v43, v30  }
0x129: {  	v37 =	vmul.f32 v37, v39;
	v40 =	vld [tilespmem:s21+$0xFFFFFC30];
	v21 =	vmul.f32 v58, v21  }
0x12a: {  	v24 =	vmul.f32 v49, v24;
	v39 =	vld [tilespmem:s21+$0xFFFFFD30];
	v25 =	vadd.f32 v25, v38;
	v38 =	vperm.xlane v30, v3  }
0x12b: {  	v21 =	vadd.f32 v21, v32;
	v32 =	vmul.f32 v55, v56;
	v22 =	vmul.f32 v53, v22;
	v43 =	vld [tilespmem:s21+$0xFFFFFF80]  }
0x12c: {  	v24 =	vadd.f32 v34, v24;
	v31 =	vmul.f32 v50, v31;
	v34 =	vperm.xlane v25, v1;
	v44 =	vld [tilespmem:s21+$0x0]  }
0x12d: {  	v21 =	vadd.f32 v32, v21;
	v32 =	vmul.f32 v46, v36;
	v22 =	vadd.f32 v48, v22;
	v36 =	vld [tilespmem:s21+$0xFFFFFFA0]  }
0x12e: {  	v24 =	vadd.f32 v31, v24;
	v31 =	vmul.f32 v42, v40;
	v25 =	vadd.f32 v25, v34;
	v34 =	vld [tilespmem:s21+$0x20]  }
0x12f: {  	v21 =	vadd.f32 v32, v21;
	v22 =	vadd.f32 v47, v22;
	v32 =	vmul.f32 v41, v39;
	v39 =	vld [tilespmem:s22+$0xFFFFFFA0]  }
0x130: {  	v24 =	vadd.f32 v31, v24;
	v31 =	vperm.xlane v25, v2;
	v33 =	vmul.f32 v33, v43;
	v40 =	vld [tilespmem:s21+$0x100]  }
0x131: {  	v41 =	vperm.xlane v21, v0;
	v22 =	vadd.f32 v32, v22;
	v26 =	vmul.f32 v26, v44;
	v32 =	vld [tilespmem:s22+$0x30]  }
0x132: {  	v42 =	vperm.xlane v24, v0;
	v25 =	vadd.f32 v25, v31;
	v31 =	vadd.f32 v35, v33;
	v33 =	vld [tilespmem:s21+$0x30]  }
0x133: {  	v21 =	vadd.f32 v21, v41;
	v35 =	vperm.xlane v22, v0;
	v15 =	vmul.f32 v15, v34;
	v34 =	vld [tilespmem:s21+$0x180]  }
0x134: {  	v24 =	vadd.f32 v24, v42;
	v41 =	vperm.xlane v25, v3;
	v36 =	vmul.f32 v39, v36;
	v39 =	vld [tilespmem:s22+$0x120]  }
0x135: {  	v26 =	vadd.f32 v37, v26;
	v42 =	vperm.xlane v21, v1;
	v22 =	vadd.f32 v22, v35;
	v35 =	vld [tilespmem:s21+$0x1A0]  }
0x136: {  	v37 =	vperm.xlane v24, v1;
	v25 =	vadd.f32 v25, v41;
	v31 =	vadd.f32 v36, v31;
	v36 =	vld [tilespmem:s22+$0x280]  }
0x137: {  	v15 =	vadd.f32 v15, v26;
	v13 =	vmul.f32 v13, v40;
	v41 =	vperm.xlane v22, v1;
	v26 =	vld [tilespmem:s21+$0x280]  }
0x138: {  	v30 =	vadd.f32 v30, v38;
	v32 =	vmul.f32 v32, v33;
	v33 =	vld [tilespmem:s22+$0x130];
	v12 =	vmul.f32 v12, v34  }
0x139: {  	v13 =	vadd.f32 v29, v13;
	v22 =	vadd.f32 v22, v41;
	v11 =	vmul.f32 v39, v11;
	v29 =	vld [tilespmem:s22+$0x200]  }
0x13a: {  	v21 =	vadd.f32 v21, v42;
	v24 =	vadd.f32 v24, v37;
	v10 =	vmul.f32 v10, v35;
	v34 =	vld [tilespmem:s21+$0x200]  }
0x13b: {  	v28 =	vadd.f32 v28, v31;
	v15 =	vadd.f32 v32, v15;
	v35 =	vperm.xlane v22, v2;
	v31 =	vld [tilespmem:s22+$0x210]  }
0x13c: {  	v32 =	vperm.xlane v24, v2;
	v12 =	vadd.f32 v27, v12;
	v27 =	vld [tilespmem:s21+$0x210];
	v26 =	vmul.f32 v36, v26  }
0x13d: {  	v36 =	vperm.xlane v21, v2;
	v22 =	vadd.f32 v22, v35;
	v35 =	vperm.xlane v28, v0;
	v37 =	vld [tilespmem:s21+$0x130]  }
0x13e: {  	v24 =	vadd.f32 v24, v32;
	v32 =	vperm.xlane v15, v0;
	v9 =	vadd.f32 v9, v26;
	v26 =	vld [tilespmem:s22+$0x310]  }
0x13f: {  	v21 =	vadd.f32 v21, v36;
	v36 =	vperm.xlane v22, v3;
	v28 =	vadd.f32 v28, v35;
	v35 =	vld [tilespmem:s21+$0x1B0]  }
0x140: {  	v10 =	vadd.f32 v10, v12;
	v38 =	vperm.xlane v24, v3;
	v29 =	vmul.f32 v29, v34;
	v12 =	vld [tilespmem:s22+$0x1B0]  }
0x141: {  	v9 =	vadd.f32 v19, v9;
	v22 =	vadd.f32 v22, v36;
	v34 =	vperm.xlane v28, v1;
	v19 =	vld [tilespmem:s22+$0x300]  }
0x142: {  	v15 =	vadd.f32 v15, v32;
	v24 =	vadd.f32 v24, v38;
	v32 =	vmul.f32 v33, v37;
	v33 =	vld [tilespmem:s21+$0x300]  }
0x143: {  	v27 =	vmul.f32 v31, v27;
	v8 =	vadd.f32 v8, v9;
	v28 =	vadd.f32 v28, v34;
	v9 =	vld [tilespmem:s21+$0x310]  }
0x144: {  	v11 =	vadd.f32 v11, v13;
	v31 =	vperm.xlane v21, v3;
	v34 =	vperm.xlane v15, v1;
	v13 =	vld [tilespmem:s22+$0x390]  }
0x145: {  	v27 =	vadd.f32 v27, v29;
	v36 =	vperm.xlane v28, v2;
	v12 =	vmul.f32 v12, v35;
	v29 =	vld [tilespmem:s21+$0x390]  }
0x146: {  	v21 =	vadd.f32 v21, v31;
	v11 =	vadd.f32 v32, v11;
	v31 =	vperm.xlane v8, v0;
	v32 =	vld [tilespmem:s22+$0x380]  }
0x147: {  	v15 =	vadd.f32 v15, v34;
	v28 =	vadd.f32 v28, v36;
	v19 =	vmul.f32 v19, v33;
	v33 =	vld [tilespmem:s21+$0x380]  }
0x148: {  	v21 =	vsel vm0, v24, v21;
	v16 =	vadd.f32 v16, v27;
	v9 =	vmul.f32 v26, v9;
	v24 =	vld [tilespmem:s22+$0x3A0]  }
0x149: {  	v27 =	vperm.xlane v15, v2;
	v10 =	vadd.f32 v12, v10;
	v26 =	vperm.xlane v28, v3;
	v12 =	vld [tilespmem:s21+$0x3A0]  }
0x14a: {  	v21 =	vsel vm1, v21, v22;
	v16 =	vadd.f32 v18, v16;
	v13 =	vmul.f32 v13, v29  }
0x14b: {  	v22 =	vadd.f32 v8, v31;
	v18 =	vsel vm2, v21, v25;
	v21 =	vadd.f32 v28, v26  }
0x14c: {  	v18 =	vsel vm3, v18, v30;
	v25 =	vperm.xlane v16, v0;
	v9 =	vadd.f32 v9, v19  }
0x14d: {  	v8 =	vadd.f32 v15, v27;
	v15 =	vperm.xlane v10, v0;
	v19 =	vmul.f32 v32, v33;
	v26 =	vld [tilespmem:s22+$0x3B0]  }
0x14e: {  	v16 =	vadd.f32 v16, v25;
	v23 =	vadd.f32 v23, v9;
	v24 =	vmul.f32 v24, v12;
	v25 =	vld [tilespmem:s21+$0x3B0]  }
0x14f: {  	v15 =	vadd.f32 v10, v15;
	v9 =	vperm.xlane v8, v3;
	v12 =	vperm.xlane v11, v0  }
.Ltmp0:
0x150: {  	v10 =	vsel vm4, v18, v20;
	v18 =	vperm.xlane v16, v1;
	v19 =	vadd.f32 v13, v19;
	(pc) =	sbr.rel @p1 .LBB2_3-.Ltmp0, $4  }
0x151: {  	v20 =	vperm.xlane v15, v1;
	v11 =	vadd.f32 v11, v12;
	v12 =	vperm.xlane v22, v1  }
0x152: {  	v10 =	vsel vm5, v10, v14;
	v14 =	vadd.f32 v17, v23;
	v13 =	vadd.f32 v16, v18  }
0x153: {  	v17 =	vadd.f32 v24, v19;
	v12 =	vadd.f32 v22, v12;
	v18 =	vmul.f32 v26, v25  }
0x154: {  	v10 =	vsel vm6, v10, v21;
	v15 =	vadd.f32 v15, v20;
	v16 =	vperm.xlane v13, v2  }
0x155: {  	v17 =	vadd.f32 v18, v17  }
0x156: {  	v48 =	vperm.xlane v14, v0;
	v19 =	vperm.xlane v11, v1  }
0x157: {  	v20 =	vperm.xlane v17, v0  }
0x158: {  	v14 =	vadd.f32 v14, v48;
	v11 =	vadd.f32 v11, v19  }
0x159: {  	v17 =	vadd.f32 v17, v20  }
0x15a: {  	v8 =	vadd.f32 v8, v9;
	v51 =	vperm.xlane v14, v1;
	v52 =	vperm.xlane v11, v2  }
0x15b: {  	v50 =	vperm.xlane v15, v2;
	v13 =	vadd.f32 v13, v16;
	v53 =	vperm.xlane v17, v1  }
0x15c: {  	v49 =	vperm.xlane v12, v2;
	v14 =	vadd.f32 v14, v51;
	v11 =	vadd.f32 v11, v52  }
0x15d: {  	v15 =	vadd.f32 v15, v50;
	v54 =	vperm.xlane v13, v3;
	v17 =	vadd.f32 v17, v53  }
0x15e: {  	v12 =	vadd.f32 v12, v49;
	v56 =	vperm.xlane v14, v2;
	v57 =	vperm.xlane v11, v3  }
0x15f: {  	v8 =	vsel vm7, v10, v8;
	v58 =	vperm.xlane v15, v3;
	v21 =	vperm.xlane v17, v2  }
0x160: {  	v7 =	vsel vm8, v8, v7;
	v9 =	vadd.f32 v14, v56;
	v59 =	vadd.f32 v11, v57  }
0x161: {  	v55 =	vperm.xlane v12, v3;
	v60 =	vadd.f32 v15, v58;
	v61 =	vadd.f32 v17, v21  }
0x162: {  	s21 =	sshra.s32 s23, $0x2;
	v13 =	vadd.f32 v13, v54;
	v14 =	vperm.xlane v9, v3;
	v7 =	vsel vm9, v7, v59  }
0x163: {  	v4 =	vld.idx.msk [tilespmem:v4+s21+$0x0 ss:$0x1], $0xffff;
	v62 =	vadd.f32 v12, v55;
	v7 =	vsel vm10, v7, v60;
	v63 =	vperm.xlane v61, v3  }
0x164: {  	v9 =	vadd.f32 v9, v14;
	v7 =	vsel vm11, v7, v13  }
0x165: {  	v5 =	vld.idx.msk [tilespmem:v5+s21+$0x0 ss:$0x1], $0xffff;
	v7 =	vsel vm12, v7, v62;
	v8 =	vadd.f32 v61, v63  }
0x166: {  	v7 =	vsel vm13, v7, v9  }
0x167: {  	v7 =	vsel vm14, v7, v8  }
.Ltmp1:
0x168: {  	v4 =	vadd.f32 v7, v4;
	(pc) =	sbr.rel @p0 .LBB2_2-.Ltmp1, $3  }
0x169: {  	_ = 	snop  }
0x16a: {  	v4 =	vadd.f32 v4, v5;
	_ =	sdelay $0x1  }
0x16b: {  	s23 =	simm.s32 $0x100;
	p1 =	por $0x0, $0x0;
	[tilespmem:v6+s21+$0x0 ss:$0x1] =	vst.idx.msk $0xffff, v4  }
0x16c: {  	s20 =	sadd.s32 $0x1, s20  }
0x16d: {  	p0 =	sne.s32 s20, s10  }
.Ltmp2:
0x16e: {  	_ = 	snop;
	(pc) =	sbr.rel @p0 .LBB2_1-.Ltmp2, $4  }
0x16f: {  	[hbm4b:s9+s5] =	stream.linear.scatter [tilespmem:s19], [sflag:$0x2], $0x200, $0x38;
	[tilespmem:$0x10A00] =	vst v63  }
0x170: {  	_ =	swait.ge [sflag:s11], $0x200  }
0x171: {  	[sflag:s11] =	ssyncset.done $0x0  }
0x172: {  	[sflag:s11] =	ssyncadd.s32 $0xFFFFFE00  }
0x173: {  	_ =	sfence.sel $0x180000  }
0x174: {  	[bflag:$0x0] =	sbarrier.arrive $0xFFFF  }
0x175: {  	p0 =	sne.s32 s6, $0x0;
	_ =	strace $0x90000047  }
0x176: {  	s0 =	sadd.s32 @!p0 $0x100000, s4;
	[bflag:$0x2] =	sbarrier.arrive $0xFFFF  }
0x177: {  	[sflag:s0] =	ssyncadd.tile.s32 @!p0 $0x1;
	_ =	shalt  }
.Lfunc_end2:
_tile_overlayer_lowered:
.L_overlay_start_2:
0x178: {  	(tag) =	ssettag $0x2  }
0x179: {  	s0 =	rddreg [dreg:$0x0];
	s2 =	stileid.u32  }
0x17a: {  	s1 =	rddreg [dreg:$0x1];
	p0 =	sne.s32 s2, $0x0  }
0x17b: {  	s3 =	rddreg [dreg:$0x2];
	[bflag:$0x3] =	sbarrier.arrive $0xFFFF;
	s2 =	simm.s32 @!p0 $0x1C02  }
0x17c: {  	[timem:s3], [sflag:s2] =	dma.local @!p0 [hbm:s0], s1  }
0x17d: {  	s0 =	simm.s32 @!p0 $0x2  }
0x17e: {  	_ =	swait.ge @!p0 [sflag:s0], s1  }
0x17f: {  	s1 =	ssub.s32 @!p0 $0x0, s1;
	[sflag:s0] =	ssyncset.done @!p0 $0x0  }
0x180: {  	[sflag:s0] =	ssyncadd.s32 @!p0 s1  }
0x181: {  	[bflag:$0x3] =	sbarrier.arrive $0xFFFF  }
0x182: {  	_ =	shalt  }

</sc_bundles>
